<compile_context>
chip_gen: v7x
topology: tpu7x:2x2x1
jax: 0.10.2.dev20260603
libtpu: 0.0.44.dev20260713+nightly
codegen_flags: <defaults>
</compile_context>

<pallas_src>
import jax
import jax.numpy as jnp
from jax import lax
from jax.experimental import pallas as pl
from jax.experimental.pallas import tpu as pltpu
from jax.experimental.pallas import tpu_sc as plsc

VOCAB = 1000000
HIDDEN = 64
SEQ = 200
BATCH = 4096

NC, NS, L = 2, 16, 16
NW = NC * NS
BB = 128
N_CHUNKS = SEQ * (BATCH // BB)
C_PER_W = N_CHUNKS // NW
SQ = SEQ // 8
JB = BATCH // BB
NBUF = 4


def _positional_encoding():
    den = jnp.exp(-jnp.arange(0, HIDDEN, 2) * jnp.log(10000.0) / HIDDEN)
    pos = jnp.arange(0, SEQ)[:, jnp.newaxis]
    pe = jnp.zeros((SEQ, HIDDEN), dtype=jnp.float32)
    pe = pe.at[:, 0::2].set(jnp.sin(pos * den))
    pe = pe.at[:, 1::2].set(jnp.cos(pos * den))
    return pe


def _embed_kernel(table_hbm, idx_hbm, pe_hbm, out_hbm,
                  idx_v, rows0, rows1, rows2, rows3, pe_v,
                  g0, g1, g2, g3, s0, s1, s2, s3, aux_sem):
    bufs = [rows0, rows1, rows2, rows3]
    gsems = [g0, g1, g2, g3]
    ssems = [s0, s1, s2, s3]
    wid = lax.axis_index("s") * NC + lax.axis_index("c")
    c_base = wid * C_PER_W

    pltpu.async_copy(pe_hbm, pe_v, aux_sem).wait()
    pltpu.async_copy(idx_hbm.at[pl.ds(c_base, C_PER_W)], idx_v, aux_sem).wait()

    def chunk_sj(k):
        cp = c_base + k
        rem = lax.rem(cp, 256)
        s = 8 * (cp // 256) + lax.rem(cp, 8)
        j = rem // 8
        return s, j

    def fire_gather(k, buf, sem):
        pltpu.async_copy(table_hbm.at[idx_v.at[k]], buf, sem)

    def wait_gather(sem, buf):
        pltpu.make_async_copy(out_hbm.at[0, pl.ds(0, BB)], buf, sem).wait()

    def wait_store(sem, buf):
        pltpu.make_async_copy(buf, out_hbm.at[0, pl.ds(0, BB)], sem).wait()

    def add_pe_and_store(k, buf, ssem):
        s, j = chunk_sj(k)
        pe_regs = [pe_v[s, pl.ds(u * L, L)] for u in range(HIDDEN // L)]

        @pl.loop(0, BB, unroll=8)
        def _(p):
            for u in range(HIDDEN // L):
                plsc.addupdate(buf.at[p, pl.ds(u * L, L)], pe_regs[u])

        pltpu.async_copy(buf, out_hbm.at[s, pl.ds(j * BB, BB)], ssem)

    for b in range(NBUF - 1):
        fire_gather(b, bufs[b], gsems[b])

    @pl.loop(0, C_PER_W // NBUF)
    def _(c4):
        for b in range(NBUF):
            k = c4 * NBUF + b
            wait_gather(gsems[b], bufs[b])
            add_pe_and_store(k, bufs[b], ssems[b])
            nb = (b + NBUF - 1) % NBUF

            @pl.when(k + NBUF - 1 < C_PER_W)
            def _():
                @pl.when(k >= 1)
                def _():
                    wait_store(ssems[nb], bufs[nb])
                fire_gather(k + NBUF - 1, bufs[nb], gsems[nb])

    for b in range(NBUF):
        wait_store(ssems[b], bufs[b])


@jax.jit
def kernel(tokens, table):
    t4 = (tokens.T.astype(jnp.int32)
          .reshape(SQ, 8, JB, BB)
          .transpose(0, 2, 1, 3)
          .reshape(N_CHUNKS, BB))
    pe = _positional_encoding()
    table_p = jnp.pad(table, ((0, 0), (0, HIDDEN)))

    mesh = plsc.VectorSubcoreMesh(core_axis_name="c", subcore_axis_name="s")
    out = pl.kernel(
        _embed_kernel,
        out_type=jax.ShapeDtypeStruct((SEQ, BATCH, 2 * HIDDEN), jnp.float32),
        mesh=mesh,
        scratch_types=[
            pltpu.VMEM((C_PER_W, BB), jnp.int32),
            pltpu.VMEM((BB, 2 * HIDDEN), jnp.float32),
            pltpu.VMEM((BB, 2 * HIDDEN), jnp.float32),
            pltpu.VMEM((BB, 2 * HIDDEN), jnp.float32),
            pltpu.VMEM((BB, 2 * HIDDEN), jnp.float32),
            pltpu.VMEM((SEQ, HIDDEN), jnp.float32),
            pltpu.SemaphoreType.DMA,
            pltpu.SemaphoreType.DMA,
            pltpu.SemaphoreType.DMA,
            pltpu.SemaphoreType.DMA,
            pltpu.SemaphoreType.DMA,
            pltpu.SemaphoreType.DMA,
            pltpu.SemaphoreType.DMA,
            pltpu.SemaphoreType.DMA,
            pltpu.SemaphoreType.DMA,
        ],
        compiler_params=pltpu.CompilerParams(use_tc_tiling_on_sc=False),
    )(table_p, t4, pe)
    return out[:, :, :HIDDEN].transpose(1, 0, 2)

# --- scband reference (transcript-rebuilt; emitter-appended) ---
"""Pipeline reference for scband-embedding-46583215292729 (READ-ONLY COPY).

The authoritative reference and input builder live on the scoring server;
editing this copy changes nothing except your own understanding.
"""

import jax, jax.numpy as jnp
import numpy as np

VOCAB = 1000000
HIDDEN = 64
SEQ = 200
BATCH = 4096


def _pos_encoding(seq_length, hidden_size):
    den = jnp.exp(-jnp.arange(0, hidden_size, 2) * jnp.log(10000.0) / hidden_size)
    pos = jnp.arange(0, seq_length)[:, jnp.newaxis]
    pe = jnp.zeros((seq_length, hidden_size), dtype=jnp.float32)
    pe = pe.at[:, 0::2].set(jnp.sin(pos * den))
    pe = pe.at[:, 1::2].set(jnp.cos(pos * den))
    return pe


def setup_inputs(seed: int = 0):
    key = jax.random.key(seed)
    k1, k2 = jax.random.split(key)
    tokens = jax.random.randint(k1, (BATCH, SEQ), 0, VOCAB)
    table = jax.random.normal(k2, (VOCAB, HIDDEN), dtype=jnp.float32) * 0.02
    return {"tokens": tokens, "table": table}


def reference(tokens, table):
    # token embedding lookup (gather)
    tok_emb = jnp.take(table, tokens, axis=0)
    # sinusoidal positional embedding (fixed, non-learned)
    pe = _pos_encoding(SEQ, HIDDEN)
    curr_seqlength = tokens.shape[1]
    # dropout_prob = 0.0 -> identity
    return tok_emb + pe[:curr_seqlength, :]

if __name__ == "__main__":
    import jax
    _d = setup_inputs()
    print(jax.jit(kernel)(*tuple(_d.values())))

</pallas_src>

<mosaic_0001>
#map = affine_map<(d0, d1) -> (0, 0)>
#map1 = affine_map<(d0, d1) -> (0, 0, 0)>
module attributes {stable_mosaic.version = 14 : i64} {
  func.func @_embed_kernel(%arg0: i32, %arg1: i32, %arg2: memref<1000000x128xf32, #tpu.memory_space<hbm>>, %arg3: memref<6400x128xi32, #tpu.memory_space<hbm>>, %arg4: memref<200x64xf32, #tpu.memory_space<hbm>>, %arg5: memref<200x4096x128xf32, #tpu.memory_space<hbm>>, %arg6: memref<200x128xi32, #tpu.memory_space<vmem>>, %arg7: memref<128x128xf32, #tpu.memory_space<vmem>>, %arg8: memref<128x128xf32, #tpu.memory_space<vmem>>, %arg9: memref<128x128xf32, #tpu.memory_space<vmem>>, %arg10: memref<128x128xf32, #tpu.memory_space<vmem>>, %arg11: memref<200x64xf32, #tpu.memory_space<vmem>>, %arg12: memref<!tpu.dma_semaphore, #tpu.memory_space<semaphore_mem>>, %arg13: memref<!tpu.dma_semaphore, #tpu.memory_space<semaphore_mem>>, %arg14: memref<!tpu.dma_semaphore, #tpu.memory_space<semaphore_mem>>, %arg15: memref<!tpu.dma_semaphore, #tpu.memory_space<semaphore_mem>>, %arg16: memref<!tpu.dma_semaphore, #tpu.memory_space<semaphore_mem>>, %arg17: memref<!tpu.dma_semaphore, #tpu.memory_space<semaphore_mem>>, %arg18: memref<!tpu.dma_semaphore, #tpu.memory_space<semaphore_mem>>, %arg19: memref<!tpu.dma_semaphore, #tpu.memory_space<semaphore_mem>>, %arg20: memref<!tpu.dma_semaphore, #tpu.memory_space<semaphore_mem>>) attributes {dimension_semantics = [#tpu.dimension_semantics<core_parallel>, #tpu.dimension_semantics<subcore_parallel>], iteration_bounds = array<i64: 2, 16>, scalar_prefetch = 0 : i64, scratch_operands = 15 : i64, tpu.core_type = #tpu.core_type<sc_vector_subcore>, window_params = [{transform_indices = #map}, {transform_indices = #map}, {transform_indices = #map}, {transform_indices = #map1}]} {
    %mul3A = arith.constant 2 : i32
    %mul3A_0 = arith.muli %arg1, %mul3A : i32
    %add3A = arith.addi %mul3A_0, %arg0 : i32
    %mul3A_1 = arith.constant 200 : i32
    %mul3A_2 = arith.muli %add3A, %mul3A_1 : i32
    tpu.enqueue_dma source(%arg4 : memref<200x64xf32, #tpu.memory_space<hbm>>) target(%arg11 : memref<200x64xf32, #tpu.memory_space<vmem>>) target_semaphore(%arg20 : memref<!tpu.dma_semaphore, #tpu.memory_space<semaphore_mem>>)
    tpu.wait_dma2 semaphore(%arg20 : memref<!tpu.dma_semaphore, #tpu.memory_space<semaphore_mem>>) src(%arg4 : memref<200x64xf32, #tpu.memory_space<hbm>>) dst(%arg11 : memref<200x64xf32, #tpu.memory_space<vmem>>)
    %dma_start3A = arith.constant 0 : i32
    %dma_start3A_3 = tpu.memref_slice %arg3[%mul3A_2, %dma_start3A] : memref<6400x128xi32, #tpu.memory_space<hbm>> -> memref<200x128xi32, #tpu.memory_space<hbm>>
    %dma_start3A_4 = arith.constant 0 : i32
    %dma_start3A_5 = tpu.memref_slice %arg3[%mul3A_2, %dma_start3A_4] : memref<6400x128xi32, #tpu.memory_space<hbm>> -> memref<200x128xi32, #tpu.memory_space<hbm>>
    tpu.enqueue_dma source(%dma_start3A_5 : memref<200x128xi32, #tpu.memory_space<hbm>>) target(%arg6 : memref<200x128xi32, #tpu.memory_space<vmem>>) target_semaphore(%arg20 : memref<!tpu.dma_semaphore, #tpu.memory_space<semaphore_mem>>)
    %dma_wait3A = arith.constant 0 : i32
    %dma_wait3A_6 = tpu.memref_slice %arg3[%mul3A_2, %dma_wait3A] : memref<6400x128xi32, #tpu.memory_space<hbm>> -> memref<200x128xi32, #tpu.memory_space<hbm>>
    %dma_wait3A_7 = arith.constant 0 : i32
    %dma_wait3A_8 = tpu.memref_slice %arg3[%mul3A_2, %dma_wait3A_7] : memref<6400x128xi32, #tpu.memory_space<hbm>> -> memref<200x128xi32, #tpu.memory_space<hbm>>
    tpu.wait_dma2 semaphore(%arg20 : memref<!tpu.dma_semaphore, #tpu.memory_space<semaphore_mem>>) src(%dma_wait3A_8 : memref<200x128xi32, #tpu.memory_space<hbm>>) dst(%arg6 : memref<200x128xi32, #tpu.memory_space<vmem>>)
    %dma_start3A_9 = arith.constant 0 : i32
    %dma_start3A_10 = arith.constant 0 : i32
    %dma_start3A_11 = tpu.memref_slice %arg6[%dma_start3A_9, %dma_start3A_10] : memref<200x128xi32, #tpu.memory_space<vmem>> -> memref<1x128xi32, #tpu.memory_space<vmem>>
    %dma_start3A_12 = tpu.memref_squeeze %dma_start3A_11 : memref<1x128xi32, #tpu.memory_space<vmem>> -> memref<128xi32, #tpu.memory_space<vmem>>
    %dma_start3A_13 = arith.constant 0 : i32
    %dma_start3A_14 = arith.constant 0 : i32
    %dma_start3A_15 = tpu.memref_slice %arg2[%dma_start3A_13, %dma_start3A_14] : memref<1000000x128xf32, #tpu.memory_space<hbm>> -> memref<1000000x128xf32, #tpu.memory_space<hbm>>
    tpu.enqueue_indirect_dma source(%dma_start3A_15 : memref<1000000x128xf32, #tpu.memory_space<hbm>>) target(%arg7 : memref<128x128xf32, #tpu.memory_space<vmem>>) offsets(%dma_start3A_12 : memref<128xi32, #tpu.memory_space<vmem>>) semaphore(%arg12 : memref<!tpu.dma_semaphore, #tpu.memory_space<semaphore_mem>>)
    %dma_start3A_16 = arith.constant 1 : i32
    %dma_start3A_17 = arith.constant 0 : i32
    %dma_start3A_18 = tpu.memref_slice %arg6[%dma_start3A_16, %dma_start3A_17] : memref<200x128xi32, #tpu.memory_space<vmem>> -> memref<1x128xi32, #tpu.memory_space<vmem>>
    %dma_start3A_19 = tpu.memref_squeeze %dma_start3A_18 : memref<1x128xi32, #tpu.memory_space<vmem>> -> memref<128xi32, #tpu.memory_space<vmem>>
    %dma_start3A_20 = arith.constant 0 : i32
    %dma_start3A_21 = arith.constant 0 : i32
    %dma_start3A_22 = tpu.memref_slice %arg2[%dma_start3A_20, %dma_start3A_21] : memref<1000000x128xf32, #tpu.memory_space<hbm>> -> memref<1000000x128xf32, #tpu.memory_space<hbm>>
    tpu.enqueue_indirect_dma source(%dma_start3A_22 : memref<1000000x128xf32, #tpu.memory_space<hbm>>) target(%arg8 : memref<128x128xf32, #tpu.memory_space<vmem>>) offsets(%dma_start3A_19 : memref<128xi32, #tpu.memory_space<vmem>>) semaphore(%arg13 : memref<!tpu.dma_semaphore, #tpu.memory_space<semaphore_mem>>)
    %dma_start3A_23 = arith.constant 2 : i32
    %dma_start3A_24 = arith.constant 0 : i32
    %dma_start3A_25 = tpu.memref_slice %arg6[%dma_start3A_23, %dma_start3A_24] : memref<200x128xi32, #tpu.memory_space<vmem>> -> memref<1x128xi32, #tpu.memory_space<vmem>>
    %dma_start3A_26 = tpu.memref_squeeze %dma_start3A_25 : memref<1x128xi32, #tpu.memory_space<vmem>> -> memref<128xi32, #tpu.memory_space<vmem>>
    %dma_start3A_27 = arith.constant 0 : i32
    %dma_start3A_28 = arith.constant 0 : i32
    %dma_start3A_29 = tpu.memref_slice %arg2[%dma_start3A_27, %dma_start3A_28] : memref<1000000x128xf32, #tpu.memory_space<hbm>> -> memref<1000000x128xf32, #tpu.memory_space<hbm>>
    tpu.enqueue_indirect_dma source(%dma_start3A_29 : memref<1000000x128xf32, #tpu.memory_space<hbm>>) target(%arg9 : memref<128x128xf32, #tpu.memory_space<vmem>>) offsets(%dma_start3A_26 : memref<128xi32, #tpu.memory_space<vmem>>) semaphore(%arg14 : memref<!tpu.dma_semaphore, #tpu.memory_space<semaphore_mem>>)
    %scan3A = arith.constant 0 : i32
    %scan3A_30 = arith.constant 50 : i32
    %scan3A_31 = arith.addi %scan3A, %scan3A_30 : i32
    %scan3A_32 = arith.constant 1 : i32
    scf.for %scan3A_70 = %scan3A to %scan3A_31 step %scan3A_32  : i32 {
      %mul3A_71 = arith.constant 1 : i32
      %mul3A_72 = arith.muli %scan3A_70, %mul3A_71 : i32
      %add3A_73 = arith.constant 0 : i32
      %add3A_74 = arith.addi %add3A_73, %mul3A_72 : i32
      %mul3A_75 = arith.constant 4 : i32
      %mul3A_76 = arith.muli %add3A_74, %mul3A_75 : i32
      %add3A_77 = arith.constant 0 : i32
      %add3A_78 = arith.addi %mul3A_76, %add3A_77 : i32
      %dma_wait3A_79 = arith.constant 0 : i32
      %dma_wait3A_80 = arith.constant 0 : i32
      %dma_wait3A_81 = arith.constant 0 : i32
      %dma_wait3A_82 = tpu.memref_slice %arg5[%dma_wait3A_79, %dma_wait3A_80, %dma_wait3A_81] : memref<200x4096x128xf32, #tpu.memory_space<hbm>> -> memref<1x128x128xf32, #tpu.memory_space<hbm>>
      %dma_wait3A_83 = tpu.memref_squeeze %dma_wait3A_82 : memref<1x128x128xf32, #tpu.memory_space<hbm>> -> memref<128x128xf32, #tpu.memory_space<hbm>>
      %dma_wait3A_84 = arith.constant 0 : i32
      %dma_wait3A_85 = arith.constant 0 : i32
      %dma_wait3A_86 = tpu.memref_slice %arg5[%dma_wait3A_79, %dma_wait3A_84, %dma_wait3A_85] : memref<200x4096x128xf32, #tpu.memory_space<hbm>> -> memref<1x128x128xf32, #tpu.memory_space<hbm>>
      %dma_wait3A_87 = tpu.memref_squeeze %dma_wait3A_86 : memref<1x128x128xf32, #tpu.memory_space<hbm>> -> memref<128x128xf32, #tpu.memory_space<hbm>>
      tpu.wait_dma2 semaphore(%arg12 : memref<!tpu.dma_semaphore, #tpu.memory_space<semaphore_mem>>) src(%dma_wait3A_87 : memref<128x128xf32, #tpu.memory_space<hbm>>) dst(%arg7 : memref<128x128xf32, #tpu.memory_space<vmem>>)
      %add3A_88 = arith.addi %mul3A_2, %add3A_78 : i32
      %rem3A = arith.constant 256 : i32
      %rem3A_89 = arith.remsi %add3A_88, %rem3A : i32
      %jit3A = arith.constant 256 : i32
      %div3A = arith.divsi %add3A_88, %jit3A : i32
      %sign3A = arith.constant 0 : i32
      %sign3A_90 = arith.cmpi sgt, %add3A_88, %sign3A : i32
      %sign3A_91 = arith.extui %sign3A_90 : i1 to i32
      %sign3A_92 = arith.constant 0 : i32
      %sign3A_93 = arith.cmpi slt, %add3A_88, %sign3A_92 : i32
      %sign3A_94 = arith.extui %sign3A_93 : i1 to i32
      %sign3A_95 = arith.subi %sign3A_91, %sign3A_94 : i32
      %sign3A_96 = arith.constant 0 : i32
      %sign3A_97 = arith.cmpi sgt, %jit3A, %sign3A_96 : i32
      %sign3A_98 = arith.extui %sign3A_97 : i1 to i32
      %sign3A_99 = arith.constant 0 : i32
      %sign3A_100 = arith.cmpi slt, %jit3A, %sign3A_99 : i32
      %sign3A_101 = arith.extui %sign3A_100 : i1 to i32
      %sign3A_102 = arith.subi %sign3A_98, %sign3A_101 : i32
      %ne3A = arith.cmpi ne, %sign3A_95, %sign3A_102 : i32
      %rem3A_103 = arith.remsi %add3A_88, %jit3A : i32
      %ne3A_104 = arith.constant 0 : i32
      %ne3A_105 = arith.cmpi ne, %rem3A_103, %ne3A_104 : i32
      %and3A = arith.andi %ne3A, %ne3A_105 : i1
      %sub3A = arith.constant 1 : i32
      %sub3A_106 = arith.subi %div3A, %sub3A : i32
      %select_n3A = arith.select %and3A, %sub3A_106, %div3A : i32
      %mul3A_107 = arith.constant 8 : i32
      %mul3A_108 = arith.muli %mul3A_107, %select_n3A : i32
      %rem3A_109 = arith.constant 8 : i32
      %rem3A_110 = arith.remsi %add3A_88, %rem3A_109 : i32
      %add3A_111 = arith.addi %mul3A_108, %rem3A_110 : i32
      %jit3A_112 = arith.constant 8 : i32
      %div3A_113 = arith.divsi %rem3A_89, %jit3A_112 : i32
      %sign3A_114 = arith.constant 0 : i32
      %sign3A_115 = arith.cmpi sgt, %rem3A_89, %sign3A_114 : i32
      %sign3A_116 = arith.extui %sign3A_115 : i1 to i32
      %sign3A_117 = arith.constant 0 : i32
      %sign3A_118 = arith.cmpi slt, %rem3A_89, %sign3A_117 : i32
      %sign3A_119 = arith.extui %sign3A_118 : i1 to i32
      %sign3A_120 = arith.subi %sign3A_116, %sign3A_119 : i32
      %sign3A_121 = arith.constant 0 : i32
      %sign3A_122 = arith.cmpi sgt, %jit3A_112, %sign3A_121 : i32
      %sign3A_123 = arith.extui %sign3A_122 : i1 to i32
      %sign3A_124 = arith.constant 0 : i32
      %sign3A_125 = arith.cmpi slt, %jit3A_112, %sign3A_124 : i32
      %sign3A_126 = arith.extui %sign3A_125 : i1 to i32
      %sign3A_127 = arith.subi %sign3A_123, %sign3A_126 : i32
      %ne3A_128 = arith.cmpi ne, %sign3A_120, %sign3A_127 : i32
      %rem3A_129 = arith.remsi %rem3A_89, %jit3A_112 : i32
      %ne3A_130 = arith.constant 0 : i32
      %ne3A_131 = arith.cmpi ne, %rem3A_129, %ne3A_130 : i32
      %and3A_132 = arith.andi %ne3A_128, %ne3A_131 : i1
      %sub3A_133 = arith.constant 1 : i32
      %sub3A_134 = arith.subi %div3A_113, %sub3A_133 : i32
      %select_n3A_135 = arith.select %and3A_132, %sub3A_134, %div3A_113 : i32
      %get3A = arith.index_cast %add3A_111 : i32 to index
      %get3A_136 = arith.constant 0 : index
      %get3A_137 = tpu.vector_load %arg11[%get3A, %get3A_136] {strides = array<i32>} : memref<200x64xf32, #tpu.memory_space<vmem>>, vector<1x16xf32>,
      %get3A_138 = vector.shape_cast %get3A_137 : vector<1x16xf32> to vector<16xf32>
      %get3A_139 = arith.index_cast %add3A_111 : i32 to index
      %get3A_140 = arith.constant 16 : index
      %get3A_141 = tpu.vector_load %arg11[%get3A_139, %get3A_140] {strides = array<i32>} : memref<200x64xf32, #tpu.memory_space<vmem>>, vector<1x16xf32>,
      %get3A_142 = vector.shape_cast %get3A_141 : vector<1x16xf32> to vector<16xf32>
      %get3A_143 = arith.index_cast %add3A_111 : i32 to index
      %get3A_144 = arith.constant 32 : index
      %get3A_145 = tpu.vector_load %arg11[%get3A_143, %get3A_144] {strides = array<i32>} : memref<200x64xf32, #tpu.memory_space<vmem>>, vector<1x16xf32>,
      %get3A_146 = vector.shape_cast %get3A_145 : vector<1x16xf32> to vector<16xf32>
      %get3A_147 = arith.index_cast %add3A_111 : i32 to index
      %get3A_148 = arith.constant 48 : index
      %get3A_149 = tpu.vector_load %arg11[%get3A_147, %get3A_148] {strides = array<i32>} : memref<200x64xf32, #tpu.memory_space<vmem>>, vector<1x16xf32>,
      %get3A_150 = vector.shape_cast %get3A_149 : vector<1x16xf32> to vector<16xf32>
      %scan3A_151 = arith.constant 0 : i32
      %scan3A_152 = arith.constant 128 : i32
      %scan3A_153 = arith.addi %scan3A_151, %scan3A_152 : i32
      %scan3A_154 = arith.constant 8 : i32
      scf.for %scan3A_491 = %scan3A_151 to %scan3A_153 step %scan3A_154  : i32 {
        %mul3A_492 = arith.constant 1 : i32
        %mul3A_493 = arith.muli %scan3A_491, %mul3A_492 : i32
        %add3A_494 = arith.constant 0 : i32
        %add3A_495 = arith.addi %add3A_494, %mul3A_493 : i32
        %swap3A = arith.index_cast %add3A_495 : i32 to index
        %swap3A_496 = arith.constant 0 : index
        %swap3A_497 = tpu.vector_load %arg7[%swap3A, %swap3A_496] {strides = array<i32>} : memref<128x128xf32, #tpu.memory_space<vmem>>, vector<1x16xf32>,
        %swap3A_498 = vector.shape_cast %swap3A_497 : vector<1x16xf32> to vector<16xf32>
        %swap3A_499 = vector.shape_cast %get3A_138 : vector<16xf32> to vector<1x16xf32>
        tpu.vector_store %arg7[%swap3A, %swap3A_496], %swap3A_499 {add = true, strides = array<i32>} : memref<128x128xf32, #tpu.memory_space<vmem>>, vector<1x16xf32>,
        %swap3A_500 = arith.index_cast %add3A_495 : i32 to index
        %swap3A_501 = arith.constant 16 : index
        %swap3A_502 = tpu.vector_load %arg7[%swap3A_500, %swap3A_501] {strides = array<i32>} : memref<128x128xf32, #tpu.memory_space<vmem>>, vector<1x16xf32>,
        %swap3A_503 = vector.shape_cast %swap3A_502 : vector<1x16xf32> to vector<16xf32>
        %swap3A_504 = vector.shape_cast %get3A_142 : vector<16xf32> to vector<1x16xf32>
        tpu.vector_store %arg7[%swap3A_500, %swap3A_501], %swap3A_504 {add = true, strides = array<i32>} : memref<128x128xf32, #tpu.memory_space<vmem>>, vector<1x16xf32>,
        %swap3A_505 = arith.index_cast %add3A_495 : i32 to index
        %swap3A_506 = arith.constant 32 : index
        %swap3A_507 = tpu.vector_load %arg7[%swap3A_505, %swap3A_506] {strides = array<i32>} : memref<128x128xf32, #tpu.memory_space<vmem>>, vector<1x16xf32>,
        %swap3A_508 = vector.shape_cast %swap3A_507 : vector<1x16xf32> to vector<16xf32>
        %swap3A_509 = vector.shape_cast %get3A_146 : vector<16xf32> to vector<1x16xf32>
        tpu.vector_store %arg7[%swap3A_505, %swap3A_506], %swap3A_509 {add = true, strides = array<i32>} : memref<128x128xf32, #tpu.memory_space<vmem>>, vector<1x16xf32>,
        %swap3A_510 = arith.index_cast %add3A_495 : i32 to index
        %swap3A_511 = arith.constant 48 : index
        %swap3A_512 = tpu.vector_load %arg7[%swap3A_510, %swap3A_511] {strides = array<i32>} : memref<128x128xf32, #tpu.memory_space<vmem>>, vector<1x16xf32>,
        %swap3A_513 = vector.shape_cast %swap3A_512 : vector<1x16xf32> to vector<16xf32>
        %swap3A_514 = vector.shape_cast %get3A_150 : vector<16xf32> to vector<1x16xf32>
        tpu.vector_store %arg7[%swap3A_510, %swap3A_511], %swap3A_514 {add = true, strides = array<i32>} : memref<128x128xf32, #tpu.memory_space<vmem>>, vector<1x16xf32>,
        %scan3A_515 = arith.constant 1 : i32
        %scan3A_516 = arith.addi %scan3A_491, %scan3A_515 : i32
        %mul3A_517 = arith.constant 1 : i32
        %mul3A_518 = arith.muli %scan3A_516, %mul3A_517 : i32
        %add3A_519 = arith.constant 0 : i32
        %add3A_520 = arith.addi %add3A_519, %mul3A_518 : i32
        %swap3A_521 = arith.index_cast %add3A_520 : i32 to index
        %swap3A_522 = arith.constant 0 : index
        %swap3A_523 = tpu.vector_load %arg7[%swap3A_521, %swap3A_522] {strides = array<i32>} : memref<128x128xf32, #tpu.memory_space<vmem>>, vector<1x16xf32>,
        %swap3A_524 = vector.shape_cast %swap3A_523 : vector<1x16xf32> to vector<16xf32>
        %swap3A_525 = vector.shape_cast %get3A_138 : vector<16xf32> to vector<1x16xf32>
        tpu.vector_store %arg7[%swap3A_521, %swap3A_522], %swap3A_525 {add = true, strides = array<i32>} : memref<128x128xf32, #tpu.memory_space<vmem>>, vector<1x16xf32>,
        %swap3A_526 = arith.index_cast %add3A_520 : i32 to index
        %swap3A_527 = arith.constant 16 : index
        %swap3A_528 = tpu.vector_load %arg7[%swap3A_526, %swap3A_527] {strides = array<i32>} : memref<128x128xf32, #tpu.memory_space<vmem>>, vector<1x16xf32>,
        %swap3A_529 = vector.shape_cast %swap3A_528 : vector<1x16xf32> to vector<16xf32>
        %swap3A_530 = vector.shape_cast %get3A_142 : vector<16xf32> to vector<1x16xf32>
        tpu.vector_store %arg7[%swap3A_526, %swap3A_527], %swap3A_530 {add = true, strides = array<i32>} : memref<128x128xf32, #tpu.memory_space<vmem>>, vector<1x16xf32>,
        %swap3A_531 = arith.index_cast %add3A_520 : i32 to index
        %swap3A_532 = arith.constant 32 : index
        %swap3A_533 = tpu.vector_load %arg7[%swap3A_531, %swap3A_532] {strides = array<i32>} : memref<128x128xf32, #tpu.memory_space<vmem>>, vector<1x16xf32>,
        %swap3A_534 = vector.shape_cast %swap3A_533 : vector<1x16xf32> to vector<16xf32>
        %swap3A_535 = vector.shape_cast %get3A_146 : vector<16xf32> to vector<1x16xf32>
        tpu.vector_store %arg7[%swap3A_531, %swap3A_532], %swap3A_535 {add = true, strides = array<i32>} : memref<128x128xf32, #tpu.memory_space<vmem>>, vector<1x16xf32>,
        %swap3A_536 = arith.index_cast %add3A_520 : i32 to index
        %swap3A_537 = arith.constant 48 : index
        %swap3A_538 = tpu.vector_load %arg7[%swap3A_536, %swap3A_537] {strides = array<i32>} : memref<128x128xf32, #tpu.memory_space<vmem>>, vector<1x16xf32>,
        %swap3A_539 = vector.shape_cast %swap3A_538 : vector<1x16xf32> to vector<16xf32>
        %swap3A_540 = vector.shape_cast %get3A_150 : vector<16xf32> to vector<1x16xf32>
        tpu.vector_store %arg7[%swap3A_536, %swap3A_537], %swap3A_540 {add = true, strides = array<i32>} : memref<128x128xf32, #tpu.memory_space<vmem>>, vector<1x16xf32>,
        %scan3A_541 = arith.constant 2 : i32
        %scan3A_542 = arith.addi %scan3A_491, %scan3A_541 : i32
        %mul3A_543 = arith.constant 1 : i32
        %mul3A_544 = arith.muli %scan3A_542, %mul3A_543 : i32
        %add3A_545 = arith.constant 0 : i32
        %add3A_546 = arith.addi %add3A_545, %mul3A_544 : i32
        %swap3A_547 = arith.index_cast %add3A_546 : i32 to index
        %swap3A_548 = arith.constant 0 : index
        %swap3A_549 = tpu.vector_load %arg7[%swap3A_547, %swap3A_548] {strides = array<i32>} : memref<128x128xf32, #tpu.memory_space<vmem>>, vector<1x16xf32>,
        %swap3A_550 = vector.shape_cast %swap3A_549 : vector<1x16xf32> to vector<16xf32>
        %swap3A_551 = vector.shape_cast %get3A_138 : vector<16xf32> to vector<1x16xf32>
        tpu.vector_store %arg7[%swap3A_547, %swap3A_548], %swap3A_551 {add = true, strides = array<i32>} : memref<128x128xf32, #tpu.memory_space<vmem>>, vector<1x16xf32>,
        %swap3A_552 = arith.index_cast %add3A_546 : i32 to index
        %swap3A_553 = arith.constant 16 : index
        %swap3A_554 = tpu.vector_load %arg7[%swap3A_552, %swap3A_553] {strides = array<i32>} : memref<128x128xf32, #tpu.memory_space<vmem>>, vector<1x16xf32>,
        %swap3A_555 = vector.shape_cast %swap3A_554 : vector<1x16xf32> to vector<16xf32>
        %swap3A_556 = vector.shape_cast %get3A_142 : vector<16xf32> to vector<1x16xf32>
        tpu.vector_store %arg7[%swap3A_552, %swap3A_553], %swap3A_556 {add = true, strides = array<i32>} : memref<128x128xf32, #tpu.memory_space<vmem>>, vector<1x16xf32>,
        %swap3A_557 = arith.index_cast %add3A_546 : i32 to index
        %swap3A_558 = arith.constant 32 : index
        %swap3A_559 = tpu.vector_load %arg7[%swap3A_557, %swap3A_558] {strides = array<i32>} : memref<128x128xf32, #tpu.memory_space<vmem>>, vector<1x16xf32>,
        %swap3A_560 = vector.shape_cast %swap3A_559 : vector<1x16xf32> to vector<16xf32>
        %swap3A_561 = vector.shape_cast %get3A_146 : vector<16xf32> to vector<1x16xf32>
        tpu.vector_store %arg7[%swap3A_557, %swap3A_558], %swap3A_561 {add = true, strides = array<i32>} : memref<128x128xf32, #tpu.memory_space<vmem>>, vector<1x16xf32>,
        %swap3A_562 = arith.index_cast %add3A_546 : i32 to index
        %swap3A_563 = arith.constant 48 : index
        %swap3A_564 = tpu.vector_load %arg7[%swap3A_562, %swap3A_563] {strides = array<i32>} : memref<128x128xf32, #tpu.memory_space<vmem>>, vector<1x16xf32>,
        %swap3A_565 = vector.shape_cast %swap3A_564 : vector<1x16xf32> to vector<16xf32>
        %swap3A_566 = vector.shape_cast %get3A_150 : vector<16xf32> to vector<1x16xf32>
        tpu.vector_store %arg7[%swap3A_562, %swap3A_563], %swap3A_566 {add = true, strides = array<i32>} : memref<128x128xf32, #tpu.memory_space<vmem>>, vector<1x16xf32>,
        %scan3A_567 = arith.constant 3 : i32
        %scan3A_568 = arith.addi %scan3A_491, %scan3A_567 : i32
        %mul3A_569 = arith.constant 1 : i32
        %mul3A_570 = arith.muli %scan3A_568, %mul3A_569 : i32
        %add3A_571 = arith.constant 0 : i32
        %add3A_572 = arith.addi %add3A_571, %mul3A_570 : i32
        %swap3A_573 = arith.index_cast %add3A_572 : i32 to index
        %swap3A_574 = arith.constant 0 : index
        %swap3A_575 = tpu.vector_load %arg7[%swap3A_573, %swap3A_574] {strides = array<i32>} : memref<128x128xf32, #tpu.memory_space<vmem>>, vector<1x16xf32>,
        %swap3A_576 = vector.shape_cast %swap3A_575 : vector<1x16xf32> to vector<16xf32>
        %swap3A_577 = vector.shape_cast %get3A_138 : vector<16xf32> to vector<1x16xf32>
        tpu.vector_store %arg7[%swap3A_573, %swap3A_574], %swap3A_577 {add = true, strides = array<i32>} : memref<128x128xf32, #tpu.memory_space<vmem>>, vector<1x16xf32>,
        %swap3A_578 = arith.index_cast %add3A_572 : i32 to index
        %swap3A_579 = arith.constant 16 : index
        %swap3A_580 = tpu.vector_load %arg7[%swap3A_578, %swap3A_579] {strides = array<i32>} : memref<128x128xf32, #tpu.memory_space<vmem>>, vector<1x16xf32>,
        %swap3A_581 = vector.shape_cast %swap3A_580 : vector<1x16xf32> to vector<16xf32>
        %swap3A_582 = vector.shape_cast %get3A_142 : vector<16xf32> to vector<1x16xf32>
        tpu.vector_store %arg7[%swap3A_578, %swap3A_579], %swap3A_582 {add = true, strides = array<i32>} : memref<128x128xf32, #tpu.memory_space<vmem>>, vector<1x16xf32>,
        %swap3A_583 = arith.index_cast %add3A_572 : i32 to index
        %swap3A_584 = arith.constant 32 : index
        %swap3A_585 = tpu.vector_load %arg7[%swap3A_583, %swap3A_584] {strides = array<i32>} : memref<128x128xf32, #tpu.memory_space<vmem>>, vector<1x16xf32>,
        %swap3A_586 = vector.shape_cast %swap3A_585 : vector<1x16xf32> to vector<16xf32>
        %swap3A_587 = vector.shape_cast %get3A_146 : vector<16xf32> to vector<1x16xf32>
        tpu.vector_store %arg7[%swap3A_583, %swap3A_584], %swap3A_587 {add = true, strides = array<i32>} : memref<128x128xf32, #tpu.memory_space<vmem>>, vector<1x16xf32>,
        %swap3A_588 = arith.index_cast %add3A_572 : i32 to index
        %swap3A_589 = arith.constant 48 : index
        %swap3A_590 = tpu.vector_load %arg7[%swap3A_588, %swap3A_589] {strides = array<i32>} : memref<128x128xf32, #tpu.memory_space<vmem>>, vector<1x16xf32>,
        %swap3A_591 = vector.shape_cast %swap3A_590 : vector<1x16xf32> to vector<16xf32>
        %swap3A_592 = vector.shape_cast %get3A_150 : vector<16xf32> to vector<1x16xf32>
        tpu.vector_store %arg7[%swap3A_588, %swap3A_589], %swap3A_592 {add = true, strides = array<i32>} : memref<128x128xf32, #tpu.memory_space<vmem>>, vector<1x16xf32>,
        %scan3A_593 = arith.constant 4 : i32
        %scan3A_594 = arith.addi %scan3A_491, %scan3A_593 : i32
        %mul3A_595 = arith.constant 1 : i32
        %mul3A_596 = arith.muli %scan3A_594, %mul3A_595 : i32
        %add3A_597 = arith.constant 0 : i32
        %add3A_598 = arith.addi %add3A_597, %mul3A_596 : i32
        %swap3A_599 = arith.index_cast %add3A_598 : i32 to index
        %swap3A_600 = arith.constant 0 : index
        %swap3A_601 = tpu.vector_load %arg7[%swap3A_599, %swap3A_600] {strides = array<i32>} : memref<128x128xf32, #tpu.memory_space<vmem>>, vector<1x16xf32>,
        %swap3A_602 = vector.shape_cast %swap3A_601 : vector<1x16xf32> to vector<16xf32>
        %swap3A_603 = vector.shape_cast %get3A_138 : vector<16xf32> to vector<1x16xf32>
        tpu.vector_store %arg7[%swap3A_599, %swap3A_600], %swap3A_603 {add = true, strides = array<i32>} : memref<128x128xf32, #tpu.memory_space<vmem>>, vector<1x16xf32>,
        %swap3A_604 = arith.index_cast %add3A_598 : i32 to index
        %swap3A_605 = arith.constant 16 : index
        %swap3A_606 = tpu.vector_load %arg7[%swap3A_604, %swap3A_605] {strides = array<i32>} : memref<128x128xf32, #tpu.memory_space<vmem>>, vector<1x16xf32>,
        %swap3A_607 = vector.shape_cast %swap3A_606 : vector<1x16xf32> to vector<16xf32>
        %swap3A_608 = vector.shape_cast %get3A_142 : vector<16xf32> to vector<1x16xf32>
        tpu.vector_store %arg7[%swap3A_604, %swap3A_605], %swap3A_608 {add = true, strides = array<i32>} : memref<128x128xf32, #tpu.memory_space<vmem>>, vector<1x16xf32>,
        %swap3A_609 = arith.index_cast %add3A_598 : i32 to index
        %swap3A_610 = arith.constant 32 : index
        %swap3A_611 = tpu.vector_load %arg7[%swap3A_609, %swap3A_610] {strides = array<i32>} : memref<128x128xf32, #tpu.memory_space<vmem>>, vector<1x16xf32>,
        %swap3A_612 = vector.shape_cast %swap3A_611 : vector<1x16xf32> to vector<16xf32>
        %swap3A_613 = vector.shape_cast %get3A_146 : vector<16xf32> to vector<1x16xf32>
        tpu.vector_store %arg7[%swap3A_609, %swap3A_610], %swap3A_613 {add = true, strides = array<i32>} : memref<128x128xf32, #tpu.memory_space<vmem>>, vector<1x16xf32>,
        %swap3A_614 = arith.index_cast %add3A_598 : i32 to index
        %swap3A_615 = arith.constant 48 : index
        %swap3A_616 = tpu.vector_load %arg7[%swap3A_614, %swap3A_615] {strides = array<i32>} : memref<128x128xf32, #tpu.memory_space<vmem>>, vector<1x16xf32>,
        %swap3A_617 = vector.shape_cast %swap3A_616 : vector<1x16xf32> to vector<16xf32>
        %swap3A_618 = vector.shape_cast %get3A_150 : vector<16xf32> to vector<1x16xf32>
        tpu.vector_store %arg7[%swap3A_614, %swap3A_615], %swap3A_618 {add = true, strides = array<i32>} : memref<128x128xf32, #tpu.memory_space<vmem>>, vector<1x16xf32>,
        %scan3A_619 = arith.constant 5 : i32
        %scan3A_620 = arith.addi %scan3A_491, %scan3A_619 : i32
        %mul3A_621 = arith.constant 1 : i32
        %mul3A_622 = arith.muli %scan3A_620, %mul3A_621 : i32
        %add3A_623 = arith.constant 0 : i32
        %add3A_624 = arith.addi %add3A_623, %mul3A_622 : i32
        %swap3A_625 = arith.index_cast %add3A_624 : i32 to index
        %swap3A_626 = arith.constant 0 : index
        %swap3A_627 = tpu.vector_load %arg7[%swap3A_625, %swap3A_626] {strides = array<i32>} : memref<128x128xf32, #tpu.memory_space<vmem>>, vector<1x16xf32>,
        %swap3A_628 = vector.shape_cast %swap3A_627 : vector<1x16xf32> to vector<16xf32>
        %swap3A_629 = vector.shape_cast %get3A_138 : vector<16xf32> to vector<1x16xf32>
        tpu.vector_store %arg7[%swap3A_625, %swap3A_626], %swap3A_629 {add = true, strides = array<i32>} : memref<128x128xf32, #tpu.memory_space<vmem>>, vector<1x16xf32>,
        %swap3A_630 = arith.index_cast %add3A_624 : i32 to index
        %swap3A_631 = arith.constant 16 : index
        %swap3A_632 = tpu.vector_load %arg7[%swap3A_630, %swap3A_631] {strides = array<i32>} : memref<128x128xf32, #tpu.memory_space<vmem>>, vector<1x16xf32>,
        %swap3A_633 = vector.shape_cast %swap3A_632 : vector<1x16xf32> to vector<16xf32>
        %swap3A_634 = vector.shape_cast %get3A_142 : vector<16xf32> to vector<1x16xf32>
        tpu.vector_store %arg7[%swap3A_630, %swap3A_631], %swap3A_634 {add = true, strides = array<i32>} : memref<128x128xf32, #tpu.memory_space<vmem>>, vector<1x16xf32>,
        %swap3A_635 = arith.index_cast %add3A_624 : i32 to index
        %swap3A_636 = arith.constant 32 : index
        %swap3A_637 = tpu.vector_load %arg7[%swap3A_635, %swap3A_636] {strides = array<i32>} : memref<128x128xf32, #tpu.memory_space<vmem>>, vector<1x16xf32>,
        %swap3A_638 = vector.shape_cast %swap3A_637 : vector<1x16xf32> to vector<16xf32>
        %swap3A_639 = vector.shape_cast %get3A_146 : vector<16xf32> to vector<1x16xf32>
        tpu.vector_store %arg7[%swap3A_635, %swap3A_636], %swap3A_639 {add = true, strides = array<i32>} : memref<128x128xf32, #tpu.memory_space<vmem>>, vector<1x16xf32>,
        %swap3A_640 = arith.index_cast %add3A_624 : i32 to index
        %swap3A_641 = arith.constant 48 : index
        %swap3A_642 = tpu.vector_load %arg7[%swap3A_640, %swap3A_641] {strides = array<i32>} : memref<128x128xf32, #tpu.memory_space<vmem>>, vector<1x16xf32>,
        %swap3A_643 = vector.shape_cast %swap3A_642 : vector<1x16xf32> to vector<16xf32>
        %swap3A_644 = vector.shape_cast %get3A_150 : vector<16xf32> to vector<1x16xf32>
        tpu.vector_store %arg7[%swap3A_640, %swap3A_641], %swap3A_644 {add = true, strides = array<i32>} : memref<128x128xf32, #tpu.memory_space<vmem>>, vector<1x16xf32>,
        %scan3A_645 = arith.constant 6 : i32
        %scan3A_646 = arith.addi %scan3A_491, %scan3A_645 : i32
        %mul3A_647 = arith.constant 1 : i32
        %mul3A_648 = arith.muli %scan3A_646, %mul3A_647 : i32
        %add3A_649 = arith.constant 0 : i32
        %add3A_650 = arith.addi %add3A_649, %mul3A_648 : i32
        %swap3A_651 = arith.index_cast %add3A_650 : i32 to index
        %swap3A_652 = arith.constant 0 : index
        %swap3A_653 = tpu.vector_load %arg7[%swap3A_651, %swap3A_652] {strides = array<i32>} : memref<128x128xf32, #tpu.memory_space<vmem>>, vector<1x16xf32>,
        %swap3A_654 = vector.shape_cast %swap3A_653 : vector<1x16xf32> to vector<16xf32>
        %swap3A_655 = vector.shape_cast %get3A_138 : vector<16xf32> to vector<1x16xf32>
        tpu.vector_store %arg7[%swap3A_651, %swap3A_652], %swap3A_655 {add = true, strides = array<i32>} : memref<128x128xf32, #tpu.memory_space<vmem>>, vector<1x16xf32>,
        %swap3A_656 = arith.index_cast %add3A_650 : i32 to index
        %swap3A_657 = arith.constant 16 : index
        %swap3A_658 = tpu.vector_load %arg7[%swap3A_656, %swap3A_657] {strides = array<i32>} : memref<128x128xf32, #tpu.memory_space<vmem>>, vector<1x16xf32>,
        %swap3A_659 = vector.shape_cast %swap3A_658 : vector<1x16xf32> to vector<16xf32>
        %swap3A_660 = vector.shape_cast %get3A_142 : vector<16xf32> to vector<1x16xf32>
        tpu.vector_store %arg7[%swap3A_656, %swap3A_657], %swap3A_660 {add = true, strides = array<i32>} : memref<128x128xf32, #tpu.memory_space<vmem>>, vector<1x16xf32>,
        %swap3A_661 = arith.index_cast %add3A_650 : i32 to index
        %swap3A_662 = arith.constant 32 : index
        %swap3A_663 = tpu.vector_load %arg7[%swap3A_661, %swap3A_662] {strides = array<i32>} : memref<128x128xf32, #tpu.memory_space<vmem>>, vector<1x16xf32>,
        %swap3A_664 = vector.shape_cast %swap3A_663 : vector<1x16xf32> to vector<16xf32>
        %swap3A_665 = vector.shape_cast %get3A_146 : vector<16xf32> to vector<1x16xf32>
        tpu.vector_store %arg7[%swap3A_661, %swap3A_662], %swap3A_665 {add = true, strides = array<i32>} : memref<128x128xf32, #tpu.memory_space<vmem>>, vector<1x16xf32>,
        %swap3A_666 = arith.index_cast %add3A_650 : i32 to index
        %swap3A_667 = arith.constant 48 : index
        %swap3A_668 = tpu.vector_load %arg7[%swap3A_666, %swap3A_667] {strides = array<i32>} : memref<128x128xf32, #tpu.memory_space<vmem>>, vector<1x16xf32>,
        %swap3A_669 = vector.shape_cast %swap3A_668 : vector<1x16xf32> to vector<16xf32>
        %swap3A_670 = vector.shape_cast %get3A_150 : vector<16xf32> to vector<1x16xf32>
        tpu.vector_store %arg7[%swap3A_666, %swap3A_667], %swap3A_670 {add = true, strides = array<i32>} : memref<128x128xf32, #tpu.memory_space<vmem>>, vector<1x16xf32>,
        %scan3A_671 = arith.constant 7 : i32
        %scan3A_672 = arith.addi %scan3A_491, %scan3A_671 : i32
        %mul3A_673 = arith.constant 1 : i32
        %mul3A_674 = arith.muli %scan3A_672, %mul3A_673 : i32
        %add3A_675 = arith.constant 0 : i32
        %add3A_676 = arith.addi %add3A_675, %mul3A_674 : i32
        %swap3A_677 = arith.index_cast %add3A_676 : i32 to index
        %swap3A_678 = arith.constant 0 : index
        %swap3A_679 = tpu.vector_load %arg7[%swap3A_677, %swap3A_678] {strides = array<i32>} : memref<128x128xf32, #tpu.memory_space<vmem>>, vector<1x16xf32>,
        %swap3A_680 = vector.shape_cast %swap3A_679 : vector<1x16xf32> to vector<16xf32>
        %swap3A_681 = vector.shape_cast %get3A_138 : vector<16xf32> to vector<1x16xf32>
        tpu.vector_store %arg7[%swap3A_677, %swap3A_678], %swap3A_681 {add = true, strides = array<i32>} : memref<128x128xf32, #tpu.memory_space<vmem>>, vector<1x16xf32>,
        %swap3A_682 = arith.index_cast %add3A_676 : i32 to index
        %swap3A_683 = arith.constant 16 : index
        %swap3A_684 = tpu.vector_load %arg7[%swap3A_682, %swap3A_683] {strides = array<i32>} : memref<128x128xf32, #tpu.memory_space<vmem>>, vector<1x16xf32>,
        %swap3A_685 = vector.shape_cast %swap3A_684 : vector<1x16xf32> to vector<16xf32>
        %swap3A_686 = vector.shape_cast %get3A_142 : vector<16xf32> to vector<1x16xf32>
        tpu.vector_store %arg7[%swap3A_682, %swap3A_683], %swap3A_686 {add = true, strides = array<i32>} : memref<128x128xf32, #tpu.memory_space<vmem>>, vector<1x16xf32>,
        %swap3A_687 = arith.index_cast %add3A_676 : i32 to index
        %swap3A_688 = arith.constant 32 : index
        %swap3A_689 = tpu.vector_load %arg7[%swap3A_687, %swap3A_688] {strides = array<i32>} : memref<128x128xf32, #tpu.memory_space<vmem>>, vector<1x16xf32>,
        %swap3A_690 = vector.shape_cast %swap3A_689 : vector<1x16xf32> to vector<16xf32>
        %swap3A_691 = vector.shape_cast %get3A_146 : vector<16xf32> to vector<1x16xf32>
        tpu.vector_store %arg7[%swap3A_687, %swap3A_688], %swap3A_691 {add = true, strides = array<i32>} : memref<128x128xf32, #tpu.memory_space<vmem>>, vector<1x16xf32>,
        %swap3A_692 = arith.index_cast %add3A_676 : i32 to index
        %swap3A_693 = arith.constant 48 : index
        %swap3A_694 = tpu.vector_load %arg7[%swap3A_692, %swap3A_693] {strides = array<i32>} : memref<128x128xf32, #tpu.memory_space<vmem>>, vector<1x16xf32>,
        %swap3A_695 = vector.shape_cast %swap3A_694 : vector<1x16xf32> to vector<16xf32>
        %swap3A_696 = vector.shape_cast %get3A_150 : vector<16xf32> to vector<1x16xf32>
        tpu.vector_store %arg7[%swap3A_692, %swap3A_693], %swap3A_696 {add = true, strides = array<i32>} : memref<128x128xf32, #tpu.memory_space<vmem>>, vector<1x16xf32>,
      }
      %scan3A_155 = arith.constant 128 : i32
      %mul3A_156 = arith.constant 128 : i32
      %mul3A_157 = arith.muli %select_n3A_135, %mul3A_156 : i32
      %dma_start3A_158 = arith.constant 0 : i32
      %dma_start3A_159 = tpu.memref_slice %arg5[%add3A_111, %mul3A_157, %dma_start3A_158] : memref<200x4096x128xf32, #tpu.memory_space<hbm>> -> memref<1x128x128xf32, #tpu.memory_space<hbm>>
      %dma_start3A_160 = tpu.memref_squeeze %dma_start3A_159 : memref<1x128x128xf32, #tpu.memory_space<hbm>> -> memref<128x128xf32, #tpu.memory_space<hbm>>
      %dma_start3A_161 = arith.constant 0 : i32
      %dma_start3A_162 = tpu.memref_slice %arg5[%add3A_111, %mul3A_157, %dma_start3A_161] : memref<200x4096x128xf32, #tpu.memory_space<hbm>> -> memref<1x128x128xf32, #tpu.memory_space<hbm>>
      %dma_start3A_163 = tpu.memref_squeeze %dma_start3A_162 : memref<1x128x128xf32, #tpu.memory_space<hbm>> -> memref<128x128xf32, #tpu.memory_space<hbm>>
      tpu.enqueue_dma source(%arg7 : memref<128x128xf32, #tpu.memory_space<vmem>>) target(%dma_start3A_163 : memref<128x128xf32, #tpu.memory_space<hbm>>) target_semaphore(%arg16 : memref<!tpu.dma_semaphore, #tpu.memory_space<semaphore_mem>>)
      %add3A_164 = arith.constant 4 : i32
      %add3A_165 = arith.addi %add3A_78, %add3A_164 : i32
      %sub3A_166 = arith.constant 1 : i32
      %sub3A_167 = arith.subi %add3A_165, %sub3A_166 : i32
      %lt3A = arith.constant 200 : i32
      %lt3A_168 = arith.cmpi slt, %sub3A_167, %lt3A : i32
      %convert_element_type3A = arith.extui %lt3A_168 : i1 to i32
      %cond3A = arith.constant 0 : i32
      %cond3A_169 = arith.cmpi ne, %convert_element_type3A, %cond3A : i32
      scf.if %cond3A_169 {
        %ge3A = arith.constant 1 : i32
        %ge3A_491 = arith.cmpi sge, %add3A_78, %ge3A : i32
        %convert_element_type3A_492 = arith.extui %ge3A_491 : i1 to i32
        %cond3A_493 = arith.constant 0 : i32
        %cond3A_494 = arith.cmpi ne, %convert_element_type3A_492, %cond3A_493 : i32
        scf.if %cond3A_494 {
          %dma_wait3A_505 = arith.constant 0 : i32
          %dma_wait3A_506 = arith.constant 0 : i32
          %dma_wait3A_507 = arith.constant 0 : i32
          %dma_wait3A_508 = tpu.memref_slice %arg5[%dma_wait3A_505, %dma_wait3A_506, %dma_wait3A_507] : memref<200x4096x128xf32, #tpu.memory_space<hbm>> -> memref<1x128x128xf32, #tpu.memory_space<hbm>>
          %dma_wait3A_509 = tpu.memref_squeeze %dma_wait3A_508 : memref<1x128x128xf32, #tpu.memory_space<hbm>> -> memref<128x128xf32, #tpu.memory_space<hbm>>
          %dma_wait3A_510 = arith.constant 0 : i32
          %dma_wait3A_511 = arith.constant 0 : i32
          %dma_wait3A_512 = tpu.memref_slice %arg5[%dma_wait3A_505, %dma_wait3A_510, %dma_wait3A_511] : memref<200x4096x128xf32, #tpu.memory_space<hbm>> -> memref<1x128x128xf32, #tpu.memory_space<hbm>>
          %dma_wait3A_513 = tpu.memref_squeeze %dma_wait3A_512 : memref<1x128x128xf32, #tpu.memory_space<hbm>> -> memref<128x128xf32, #tpu.memory_space<hbm>>
          tpu.wait_dma2 semaphore(%arg19 : memref<!tpu.dma_semaphore, #tpu.memory_space<semaphore_mem>>) src(%arg10 : memref<128x128xf32, #tpu.memory_space<vmem>>) dst(%dma_wait3A_513 : memref<128x128xf32, #tpu.memory_space<hbm>>)
        } else {
        }
        %add3A_495 = arith.constant 4 : i32
        %add3A_496 = arith.addi %add3A_78, %add3A_495 : i32
        %sub3A_497 = arith.constant 1 : i32
        %sub3A_498 = arith.subi %add3A_496, %sub3A_497 : i32
        %dma_start3A_499 = arith.constant 0 : i32
        %dma_start3A_500 = tpu.memref_slice %arg6[%sub3A_498, %dma_start3A_499] : memref<200x128xi32, #tpu.memory_space<vmem>> -> memref<1x128xi32, #tpu.memory_space<vmem>>
        %dma_start3A_501 = tpu.memref_squeeze %dma_start3A_500 : memref<1x128xi32, #tpu.memory_space<vmem>> -> memref<128xi32, #tpu.memory_space<vmem>>
        %dma_start3A_502 = arith.constant 0 : i32
        %dma_start3A_503 = arith.constant 0 : i32
        %dma_start3A_504 = tpu.memref_slice %arg2[%dma_start3A_502, %dma_start3A_503] : memref<1000000x128xf32, #tpu.memory_space<hbm>> -> memref<1000000x128xf32, #tpu.memory_space<hbm>>
        tpu.enqueue_indirect_dma source(%dma_start3A_504 : memref<1000000x128xf32, #tpu.memory_space<hbm>>) target(%arg10 : memref<128x128xf32, #tpu.memory_space<vmem>>) offsets(%dma_start3A_501 : memref<128xi32, #tpu.memory_space<vmem>>) semaphore(%arg15 : memref<!tpu.dma_semaphore, #tpu.memory_space<semaphore_mem>>)
      } else {
      }
      %mul3A_170 = arith.constant 4 : i32
      %mul3A_171 = arith.muli %add3A_74, %mul3A_170 : i32
      %add3A_172 = arith.constant 1 : i32
      %add3A_173 = arith.addi %mul3A_171, %add3A_172 : i32
      %dma_wait3A_174 = arith.constant 0 : i32
      %dma_wait3A_175 = arith.constant 0 : i32
      %dma_wait3A_176 = arith.constant 0 : i32
      %dma_wait3A_177 = tpu.memref_slice %arg5[%dma_wait3A_174, %dma_wait3A_175, %dma_wait3A_176] : memref<200x4096x128xf32, #tpu.memory_space<hbm>> -> memref<1x128x128xf32, #tpu.memory_space<hbm>>
      %dma_wait3A_178 = tpu.memref_squeeze %dma_wait3A_177 : memref<1x128x128xf32, #tpu.memory_space<hbm>> -> memref<128x128xf32, #tpu.memory_space<hbm>>
      %dma_wait3A_179 = arith.constant 0 : i32
      %dma_wait3A_180 = arith.constant 0 : i32
      %dma_wait3A_181 = tpu.memref_slice %arg5[%dma_wait3A_174, %dma_wait3A_179, %dma_wait3A_180] : memref<200x4096x128xf32, #tpu.memory_space<hbm>> -> memref<1x128x128xf32, #tpu.memory_space<hbm>>
      %dma_wait3A_182 = tpu.memref_squeeze %dma_wait3A_181 : memref<1x128x128xf32, #tpu.memory_space<hbm>> -> memref<128x128xf32, #tpu.memory_space<hbm>>
      tpu.wait_dma2 semaphore(%arg13 : memref<!tpu.dma_semaphore, #tpu.memory_space<semaphore_mem>>) src(%dma_wait3A_182 : memref<128x128xf32, #tpu.memory_space<hbm>>) dst(%arg8 : memref<128x128xf32, #tpu.memory_space<vmem>>)
      %add3A_183 = arith.addi %mul3A_2, %add3A_173 : i32
      %rem3A_184 = arith.constant 256 : i32
      %rem3A_185 = arith.remsi %add3A_183, %rem3A_184 : i32
      %jit3A_186 = arith.constant 256 : i32
      %div3A_187 = arith.divsi %add3A_183, %jit3A_186 : i32
      %sign3A_188 = arith.constant 0 : i32
      %sign3A_189 = arith.cmpi sgt, %add3A_183, %sign3A_188 : i32
      %sign3A_190 = arith.extui %sign3A_189 : i1 to i32
      %sign3A_191 = arith.constant 0 : i32
      %sign3A_192 = arith.cmpi slt, %add3A_183, %sign3A_191 : i32
      %sign3A_193 = arith.extui %sign3A_192 : i1 to i32
      %sign3A_194 = arith.subi %sign3A_190, %sign3A_193 : i32
      %sign3A_195 = arith.constant 0 : i32
      %sign3A_196 = arith.cmpi sgt, %jit3A_186, %sign3A_195 : i32
      %sign3A_197 = arith.extui %sign3A_196 : i1 to i32
      %sign3A_198 = arith.constant 0 : i32
      %sign3A_199 = arith.cmpi slt, %jit3A_186, %sign3A_198 : i32
      %sign3A_200 = arith.extui %sign3A_199 : i1 to i32
      %sign3A_201 = arith.subi %sign3A_197, %sign3A_200 : i32
      %ne3A_202 = arith.cmpi ne, %sign3A_194, %sign3A_201 : i32
      %rem3A_203 = arith.remsi %add3A_183, %jit3A_186 : i32
      %ne3A_204 = arith.constant 0 : i32
      %ne3A_205 = arith.cmpi ne, %rem3A_203, %ne3A_204 : i32
      %and3A_206 = arith.andi %ne3A_202, %ne3A_205 : i1
      %sub3A_207 = arith.constant 1 : i32
      %sub3A_208 = arith.subi %div3A_187, %sub3A_207 : i32
      %select_n3A_209 = arith.select %and3A_206, %sub3A_208, %div3A_187 : i32
      %mul3A_210 = arith.constant 8 : i32
      %mul3A_211 = arith.muli %mul3A_210, %select_n3A_209 : i32
      %rem3A_212 = arith.constant 8 : i32
      %rem3A_213 = arith.remsi %add3A_183, %rem3A_212 : i32
      %add3A_214 = arith.addi %mul3A_211, %rem3A_213 : i32
      %jit3A_215 = arith.constant 8 : i32
      %div3A_216 = arith.divsi %rem3A_185, %jit3A_215 : i32
      %sign3A_217 = arith.constant 0 : i32
      %sign3A_218 = arith.cmpi sgt, %rem3A_185, %sign3A_217 : i32
      %sign3A_219 = arith.extui %sign3A_218 : i1 to i32
      %sign3A_220 = arith.constant 0 : i32
      %sign3A_221 = arith.cmpi slt, %rem3A_185, %sign3A_220 : i32
      %sign3A_222 = arith.extui %sign3A_221 : i1 to i32
      %sign3A_223 = arith.subi %sign3A_219, %sign3A_222 : i32
      %sign3A_224 = arith.constant 0 : i32
      %sign3A_225 = arith.cmpi sgt, %jit3A_215, %sign3A_224 : i32
      %sign3A_226 = arith.extui %sign3A_225 : i1 to i32
      %sign3A_227 = arith.constant 0 : i32
      %sign3A_228 = arith.cmpi slt, %jit3A_215, %sign3A_227 : i32
      %sign3A_229 = arith.extui %sign3A_228 : i1 to i32
      %sign3A_230 = arith.subi %sign3A_226, %sign3A_229 : i32
      %ne3A_231 = arith.cmpi ne, %sign3A_223, %sign3A_230 : i32
      %rem3A_232 = arith.remsi %rem3A_185, %jit3A_215 : i32
      %ne3A_233 = arith.constant 0 : i32
      %ne3A_234 = arith.cmpi ne, %rem3A_232, %ne3A_233 : i32
      %and3A_235 = arith.andi %ne3A_231, %ne3A_234 : i1
      %sub3A_236 = arith.constant 1 : i32
      %sub3A_237 = arith.subi %div3A_216, %sub3A_236 : i32
      %select_n3A_238 = arith.select %and3A_235, %sub3A_237, %div3A_216 : i32
      %get3A_239 = arith.index_cast %add3A_214 : i32 to index
      %get3A_240 = arith.constant 0 : index
      %get3A_241 = tpu.vector_load %arg11[%get3A_239, %get3A_240] {strides = array<i32>} : memref<200x64xf32, #tpu.memory_space<vmem>>, vector<1x16xf32>,
      %get3A_242 = vector.shape_cast %get3A_241 : vector<1x16xf32> to vector<16xf32>
      %get3A_243 = arith.index_cast %add3A_214 : i32 to index
      %get3A_244 = arith.constant 16 : index
      %get3A_245 = tpu.vector_load %arg11[%get3A_243, %get3A_244] {strides = array<i32>} : memref<200x64xf32, #tpu.memory_space<vmem>>, vector<1x16xf32>,
      %get3A_246 = vector.shape_cast %get3A_245 : vector<1x16xf32> to vector<16xf32>
      %get3A_247 = arith.index_cast %add3A_214 : i32 to index
      %get3A_248 = arith.constant 32 : index
      %get3A_249 = tpu.vector_load %arg11[%get3A_247, %get3A_248] {strides = array<i32>} : memref<200x64xf32, #tpu.memory_space<vmem>>, vector<1x16xf32>,
      %get3A_250 = vector.shape_cast %get3A_249 : vector<1x16xf32> to vector<16xf32>
      %get3A_251 = arith.index_cast %add3A_214 : i32 to index
      %get3A_252 = arith.constant 48 : index
      %get3A_253 = tpu.vector_load %arg11[%get3A_251, %get3A_252] {strides = array<i32>} : memref<200x64xf32, #tpu.memory_space<vmem>>, vector<1x16xf32>,
      %get3A_254 = vector.shape_cast %get3A_253 : vector<1x16xf32> to vector<16xf32>
      %scan3A_255 = arith.constant 0 : i32
      %scan3A_256 = arith.constant 128 : i32
      %scan3A_257 = arith.addi %scan3A_255, %scan3A_256 : i32
      %scan3A_258 = arith.constant 8 : i32
      scf.for %scan3A_491 = %scan3A_255 to %scan3A_257 step %scan3A_258  : i32 {
        %mul3A_492 = arith.constant 1 : i32
        %mul3A_493 = arith.muli %scan3A_491, %mul3A_492 : i32
        %add3A_494 = arith.constant 0 : i32
        %add3A_495 = arith.addi %add3A_494, %mul3A_493 : i32
        %swap3A = arith.index_cast %add3A_495 : i32 to index
        %swap3A_496 = arith.constant 0 : index
        %swap3A_497 = tpu.vector_load %arg8[%swap3A, %swap3A_496] {strides = array<i32>} : memref<128x128xf32, #tpu.memory_space<vmem>>, vector<1x16xf32>,
        %swap3A_498 = vector.shape_cast %swap3A_497 : vector<1x16xf32> to vector<16xf32>
        %swap3A_499 = vector.shape_cast %get3A_242 : vector<16xf32> to vector<1x16xf32>
        tpu.vector_store %arg8[%swap3A, %swap3A_496], %swap3A_499 {add = true, strides = array<i32>} : memref<128x128xf32, #tpu.memory_space<vmem>>, vector<1x16xf32>,
        %swap3A_500 = arith.index_cast %add3A_495 : i32 to index
        %swap3A_501 = arith.constant 16 : index
        %swap3A_502 = tpu.vector_load %arg8[%swap3A_500, %swap3A_501] {strides = array<i32>} : memref<128x128xf32, #tpu.memory_space<vmem>>, vector<1x16xf32>,
        %swap3A_503 = vector.shape_cast %swap3A_502 : vector<1x16xf32> to vector<16xf32>
        %swap3A_504 = vector.shape_cast %get3A_246 : vector<16xf32> to vector<1x16xf32>
        tpu.vector_store %arg8[%swap3A_500, %swap3A_501], %swap3A_504 {add = true, strides = array<i32>} : memref<128x128xf32, #tpu.memory_space<vmem>>, vector<1x16xf32>,
        %swap3A_505 = arith.index_cast %add3A_495 : i32 to index
        %swap3A_506 = arith.constant 32 : index
        %swap3A_507 = tpu.vector_load %arg8[%swap3A_505, %swap3A_506] {strides = array<i32>} : memref<128x128xf32, #tpu.memory_space<vmem>>, vector<1x16xf32>,
        %swap3A_508 = vector.shape_cast %swap3A_507 : vector<1x16xf32> to vector<16xf32>
        %swap3A_509 = vector.shape_cast %get3A_250 : vector<16xf32> to vector<1x16xf32>
        tpu.vector_store %arg8[%swap3A_505, %swap3A_506], %swap3A_509 {add = true, strides = array<i32>} : memref<128x128xf32, #tpu.memory_space<vmem>>, vector<1x16xf32>,
        %swap3A_510 = arith.index_cast %add3A_495 : i32 to index
        %swap3A_511 = arith.constant 48 : index
        %swap3A_512 = tpu.vector_load %arg8[%swap3A_510, %swap3A_511] {strides = array<i32>} : memref<128x128xf32, #tpu.memory_space<vmem>>, vector<1x16xf32>,
        %swap3A_513 = vector.shape_cast %swap3A_512 : vector<1x16xf32> to vector<16xf32>
        %swap3A_514 = vector.shape_cast %get3A_254 : vector<16xf32> to vector<1x16xf32>
        tpu.vector_store %arg8[%swap3A_510, %swap3A_511], %swap3A_514 {add = true, strides = array<i32>} : memref<128x128xf32, #tpu.memory_space<vmem>>, vector<1x16xf32>,
        %scan3A_515 = arith.constant 1 : i32
        %scan3A_516 = arith.addi %scan3A_491, %scan3A_515 : i32
        %mul3A_517 = arith.constant 1 : i32
        %mul3A_518 = arith.muli %scan3A_516, %mul3A_517 : i32
        %add3A_519 = arith.constant 0 : i32
        %add3A_520 = arith.addi %add3A_519, %mul3A_518 : i32
        %swap3A_521 = arith.index_cast %add3A_520 : i32 to index
        %swap3A_522 = arith.constant 0 : index
        %swap3A_523 = tpu.vector_load %arg8[%swap3A_521, %swap3A_522] {strides = array<i32>} : memref<128x128xf32, #tpu.memory_space<vmem>>, vector<1x16xf32>,
        %swap3A_524 = vector.shape_cast %swap3A_523 : vector<1x16xf32> to vector<16xf32>
        %swap3A_525 = vector.shape_cast %get3A_242 : vector<16xf32> to vector<1x16xf32>
        tpu.vector_store %arg8[%swap3A_521, %swap3A_522], %swap3A_525 {add = true, strides = array<i32>} : memref<128x128xf32, #tpu.memory_space<vmem>>, vector<1x16xf32>,
        %swap3A_526 = arith.index_cast %add3A_520 : i32 to index
        %swap3A_527 = arith.constant 16 : index
        %swap3A_528 = tpu.vector_load %arg8[%swap3A_526, %swap3A_527] {strides = array<i32>} : memref<128x128xf32, #tpu.memory_space<vmem>>, vector<1x16xf32>,
        %swap3A_529 = vector.shape_cast %swap3A_528 : vector<1x16xf32> to vector<16xf32>
        %swap3A_530 = vector.shape_cast %get3A_246 : vector<16xf32> to vector<1x16xf32>
        tpu.vector_store %arg8[%swap3A_526, %swap3A_527], %swap3A_530 {add = true, strides = array<i32>} : memref<128x128xf32, #tpu.memory_space<vmem>>, vector<1x16xf32>,
        %swap3A_531 = arith.index_cast %add3A_520 : i32 to index
        %swap3A_532 = arith.constant 32 : index
        %swap3A_533 = tpu.vector_load %arg8[%swap3A_531, %swap3A_532] {strides = array<i32>} : memref<128x128xf32, #tpu.memory_space<vmem>>, vector<1x16xf32>,
        %swap3A_534 = vector.shape_cast %swap3A_533 : vector<1x16xf32> to vector<16xf32>
        %swap3A_535 = vector.shape_cast %get3A_250 : vector<16xf32> to vector<1x16xf32>
        tpu.vector_store %arg8[%swap3A_531, %swap3A_532], %swap3A_535 {add = true, strides = array<i32>} : memref<128x128xf32, #tpu.memory_space<vmem>>, vector<1x16xf32>,
        %swap3A_536 = arith.index_cast %add3A_520 : i32 to index
        %swap3A_537 = arith.constant 48 : index
        %swap3A_538 = tpu.vector_load %arg8[%swap3A_536, %swap3A_537] {strides = array<i32>} : memref<128x128xf32, #tpu.memory_space<vmem>>, vector<1x16xf32>,
        %swap3A_539 = vector.shape_cast %swap3A_538 : vector<1x16xf32> to vector<16xf32>
        %swap3A_540 = vector.shape_cast %get3A_254 : vector<16xf32> to vector<1x16xf32>
        tpu.vector_store %arg8[%swap3A_536, %swap3A_537], %swap3A_540 {add = true, strides = array<i32>} : memref<128x128xf32, #tpu.memory_space<vmem>>, vector<1x16xf32>,
        %scan3A_541 = arith.constant 2 : i32
        %scan3A_542 = arith.addi %scan3A_491, %scan3A_541 : i32
        %mul3A_543 = arith.constant 1 : i32
        %mul3A_544 = arith.muli %scan3A_542, %mul3A_543 : i32
        %add3A_545 = arith.constant 0 : i32
        %add3A_546 = arith.addi %add3A_545, %mul3A_544 : i32
        %swap3A_547 = arith.index_cast %add3A_546 : i32 to index
        %swap3A_548 = arith.constant 0 : index
        %swap3A_549 = tpu.vector_load %arg8[%swap3A_547, %swap3A_548] {strides = array<i32>} : memref<128x128xf32, #tpu.memory_space<vmem>>, vector<1x16xf32>,
        %swap3A_550 = vector.shape_cast %swap3A_549 : vector<1x16xf32> to vector<16xf32>
        %swap3A_551 = vector.shape_cast %get3A_242 : vector<16xf32> to vector<1x16xf32>
        tpu.vector_store %arg8[%swap3A_547, %swap3A_548], %swap3A_551 {add = true, strides = array<i32>} : memref<128x128xf32, #tpu.memory_space<vmem>>, vector<1x16xf32>,
        %swap3A_552 = arith.index_cast %add3A_546 : i32 to index
        %swap3A_553 = arith.constant 16 : index
        %swap3A_554 = tpu.vector_load %arg8[%swap3A_552, %swap3A_553] {strides = array<i32>} : memref<128x128xf32, #tpu.memory_space<vmem>>, vector<1x16xf32>,
        %swap3A_555 = vector.shape_cast %swap3A_554 : vector<1x16xf32> to vector<16xf32>
        %swap3A_556 = vector.shape_cast %get3A_246 : vector<16xf32> to vector<1x16xf32>
        tpu.vector_store %arg8[%swap3A_552, %swap3A_553], %swap3A_556 {add = true, strides = array<i32>} : memref<128x128xf32, #tpu.memory_space<vmem>>, vector<1x16xf32>,
        %swap3A_557 = arith.index_cast %add3A_546 : i32 to index
        %swap3A_558 = arith.constant 32 : index
        %swap3A_559 = tpu.vector_load %arg8[%swap3A_557, %swap3A_558] {strides = array<i32>} : memref<128x128xf32, #tpu.memory_space<vmem>>, vector<1x16xf32>,
        %swap3A_560 = vector.shape_cast %swap3A_559 : vector<1x16xf32> to vector<16xf32>
        %swap3A_561 = vector.shape_cast %get3A_250 : vector<16xf32> to vector<1x16xf32>
        tpu.vector_store %arg8[%swap3A_557, %swap3A_558], %swap3A_561 {add = true, strides = array<i32>} : memref<128x128xf32, #tpu.memory_space<vmem>>, vector<1x16xf32>,
        %swap3A_562 = arith.index_cast %add3A_546 : i32 to index
        %swap3A_563 = arith.constant 48 : index
        %swap3A_564 = tpu.vector_load %arg8[%swap3A_562, %swap3A_563] {strides = array<i32>} : memref<128x128xf32, #tpu.memory_space<vmem>>, vector<1x16xf32>,
        %swap3A_565 = vector.shape_cast %swap3A_564 : vector<1x16xf32> to vector<16xf32>
        %swap3A_566 = vector.shape_cast %get3A_254 : vector<16xf32> to vector<1x16xf32>
        tpu.vector_store %arg8[%swap3A_562, %swap3A_563], %swap3A_566 {add = true, strides = array<i32>} : memref<128x128xf32, #tpu.memory_space<vmem>>, vector<1x16xf32>,
        %scan3A_567 = arith.constant 3 : i32
        %scan3A_568 = arith.addi %scan3A_491, %scan3A_567 : i32
        %mul3A_569 = arith.constant 1 : i32
        %mul3A_570 = arith.muli %scan3A_568, %mul3A_569 : i32
        %add3A_571 = arith.constant 0 : i32
        %add3A_572 = arith.addi %add3A_571, %mul3A_570 : i32
        %swap3A_573 = arith.index_cast %add3A_572 : i32 to index
        %swap3A_574 = arith.constant 0 : index
        %swap3A_575 = tpu.vector_load %arg8[%swap3A_573, %swap3A_574] {strides = array<i32>} : memref<128x128xf32, #tpu.memory_space<vmem>>, vector<1x16xf32>,
        %swap3A_576 = vector.shape_cast %swap3A_575 : vector<1x16xf32> to vector<16xf32>
        %swap3A_577 = vector.shape_cast %get3A_242 : vector<16xf32> to vector<1x16xf32>
        tpu.vector_store %arg8[%swap3A_573, %swap3A_574], %swap3A_577 {add = true, strides = array<i32>} : memref<128x128xf32, #tpu.memory_space<vmem>>, vector<1x16xf32>,
        %swap3A_578 = arith.index_cast %add3A_572 : i32 to index
        %swap3A_579 = arith.constant 16 : index
        %swap3A_580 = tpu.vector_load %arg8[%swap3A_578, %swap3A_579] {strides = array<i32>} : memref<128x128xf32, #tpu.memory_space<vmem>>, vector<1x16xf32>,
        %swap3A_581 = vector.shape_cast %swap3A_580 : vector<1x16xf32> to vector<16xf32>
        %swap3A_582 = vector.shape_cast %get3A_246 : vector<16xf32> to vector<1x16xf32>
        tpu.vector_store %arg8[%swap3A_578, %swap3A_579], %swap3A_582 {add = true, strides = array<i32>} : memref<128x128xf32, #tpu.memory_space<vmem>>, vector<1x16xf32>,
        %swap3A_583 = arith.index_cast %add3A_572 : i32 to index
        %swap3A_584 = arith.constant 32 : index
        %swap3A_585 = tpu.vector_load %arg8[%swap3A_583, %swap3A_584] {strides = array<i32>} : memref<128x128xf32, #tpu.memory_space<vmem>>, vector<1x16xf32>,
        %swap3A_586 = vector.shape_cast %swap3A_585 : vector<1x16xf32> to vector<16xf32>
        %swap3A_587 = vector.shape_cast %get3A_250 : vector<16xf32> to vector<1x16xf32>
        tpu.vector_store %arg8[%swap3A_583, %swap3A_584], %swap3A_587 {add = true, strides = array<i32>} : memref<128x128xf32, #tpu.memory_space<vmem>>, vector<1x16xf32>,
        %swap3A_588 = arith.index_cast %add3A_572 : i32 to index
        %swap3A_589 = arith.constant 48 : index
        %swap3A_590 = tpu.vector_load %arg8[%swap3A_588, %swap3A_589] {strides = array<i32>} : memref<128x128xf32, #tpu.memory_space<vmem>>, vector<1x16xf32>,
        %swap3A_591 = vector.shape_cast %swap3A_590 : vector<1x16xf32> to vector<16xf32>
        %swap3A_592 = vector.shape_cast %get3A_254 : vector<16xf32> to vector<1x16xf32>
        tpu.vector_store %arg8[%swap3A_588, %swap3A_589], %swap3A_592 {add = true, strides = array<i32>} : memref<128x128xf32, #tpu.memory_space<vmem>>, vector<1x16xf32>,
        %scan3A_593 = arith.constant 4 : i32
        %scan3A_594 = arith.addi %scan3A_491, %scan3A_593 : i32
        %mul3A_595 = arith.constant 1 : i32
        %mul3A_596 = arith.muli %scan3A_594, %mul3A_595 : i32
        %add3A_597 = arith.constant 0 : i32
        %add3A_598 = arith.addi %add3A_597, %mul3A_596 : i32
        %swap3A_599 = arith.index_cast %add3A_598 : i32 to index
        %swap3A_600 = arith.constant 0 : index
        %swap3A_601 = tpu.vector_load %arg8[%swap3A_599, %swap3A_600] {strides = array<i32>} : memref<128x128xf32, #tpu.memory_space<vmem>>, vector<1x16xf32>,
        %swap3A_602 = vector.shape_cast %swap3A_601 : vector<1x16xf32> to vector<16xf32>
        %swap3A_603 = vector.shape_cast %get3A_242 : vector<16xf32> to vector<1x16xf32>
        tpu.vector_store %arg8[%swap3A_599, %swap3A_600], %swap3A_603 {add = true, strides = array<i32>} : memref<128x128xf32, #tpu.memory_space<vmem>>, vector<1x16xf32>,
        %swap3A_604 = arith.index_cast %add3A_598 : i32 to index
        %swap3A_605 = arith.constant 16 : index
        %swap3A_606 = tpu.vector_load %arg8[%swap3A_604, %swap3A_605] {strides = array<i32>} : memref<128x128xf32, #tpu.memory_space<vmem>>, vector<1x16xf32>,
        %swap3A_607 = vector.shape_cast %swap3A_606 : vector<1x16xf32> to vector<16xf32>
        %swap3A_608 = vector.shape_cast %get3A_246 : vector<16xf32> to vector<1x16xf32>
        tpu.vector_store %arg8[%swap3A_604, %swap3A_605], %swap3A_608 {add = true, strides = array<i32>} : memref<128x128xf32, #tpu.memory_space<vmem>>, vector<1x16xf32>,
        %swap3A_609 = arith.index_cast %add3A_598 : i32 to index
        %swap3A_610 = arith.constant 32 : index
        %swap3A_611 = tpu.vector_load %arg8[%swap3A_609, %swap3A_610] {strides = array<i32>} : memref<128x128xf32, #tpu.memory_space<vmem>>, vector<1x16xf32>,
        %swap3A_612 = vector.shape_cast %swap3A_611 : vector<1x16xf32> to vector<16xf32>
        %swap3A_613 = vector.shape_cast %get3A_250 : vector<16xf32> to vector<1x16xf32>
        tpu.vector_store %arg8[%swap3A_609, %swap3A_610], %swap3A_613 {add = true, strides = array<i32>} : memref<128x128xf32, #tpu.memory_space<vmem>>, vector<1x16xf32>,
        %swap3A_614 = arith.index_cast %add3A_598 : i32 to index
        %swap3A_615 = arith.constant 48 : index
        %swap3A_616 = tpu.vector_load %arg8[%swap3A_614, %swap3A_615] {strides = array<i32>} : memref<128x128xf32, #tpu.memory_space<vmem>>, vector<1x16xf32>,
        %swap3A_617 = vector.shape_cast %swap3A_616 : vector<1x16xf32> to vector<16xf32>
        %swap3A_618 = vector.shape_cast %get3A_254 : vector<16xf32> to vector<1x16xf32>
        tpu.vector_store %arg8[%swap3A_614, %swap3A_615], %swap3A_618 {add = true, strides = array<i32>} : memref<128x128xf32, #tpu.memory_space<vmem>>, vector<1x16xf32>,
        %scan3A_619 = arith.constant 5 : i32
        %scan3A_620 = arith.addi %scan3A_491, %scan3A_619 : i32
        %mul3A_621 = arith.constant 1 : i32
        %mul3A_622 = arith.muli %scan3A_620, %mul3A_621 : i32
        %add3A_623 = arith.constant 0 : i32
        %add3A_624 = arith.addi %add3A_623, %mul3A_622 : i32
        %swap3A_625 = arith.index_cast %add3A_624 : i32 to index
        %swap3A_626 = arith.constant 0 : index
        %swap3A_627 = tpu.vector_load %arg8[%swap3A_625, %swap3A_626] {strides = array<i32>} : memref<128x128xf32, #tpu.memory_space<vmem>>, vector<1x16xf32>,
        %swap3A_628 = vector.shape_cast %swap3A_627 : vector<1x16xf32> to vector<16xf32>
        %swap3A_629 = vector.shape_cast %get3A_242 : vector<16xf32> to vector<1x16xf32>
        tpu.vector_store %arg8[%swap3A_625, %swap3A_626], %swap3A_629 {add = true, strides = array<i32>} : memref<128x128xf32, #tpu.memory_space<vmem>>, vector<1x16xf32>,
        %swap3A_630 = arith.index_cast %add3A_624 : i32 to index
        %swap3A_631 = arith.constant 16 : index
        %swap3A_632 = tpu.vector_load %arg8[%swap3A_630, %swap3A_631] {strides = array<i32>} : memref<128x128xf32, #tpu.memory_space<vmem>>, vector<1x16xf32>,
        %swap3A_633 = vector.shape_cast %swap3A_632 : vector<1x16xf32> to vector<16xf32>
        %swap3A_634 = vector.shape_cast %get3A_246 : vector<16xf32> to vector<1x16xf32>
        tpu.vector_store %arg8[%swap3A_630, %swap3A_631], %swap3A_634 {add = true, strides = array<i32>} : memref<128x128xf32, #tpu.memory_space<vmem>>, vector<1x16xf32>,
        %swap3A_635 = arith.index_cast %add3A_624 : i32 to index
        %swap3A_636 = arith.constant 32 : index
        %swap3A_637 = tpu.vector_load %arg8[%swap3A_635, %swap3A_636] {strides = array<i32>} : memref<128x128xf32, #tpu.memory_space<vmem>>, vector<1x16xf32>,
        %swap3A_638 = vector.shape_cast %swap3A_637 : vector<1x16xf32> to vector<16xf32>
        %swap3A_639 = vector.shape_cast %get3A_250 : vector<16xf32> to vector<1x16xf32>
        tpu.vector_store %arg8[%swap3A_635, %swap3A_636], %swap3A_639 {add = true, strides = array<i32>} : memref<128x128xf32, #tpu.memory_space<vmem>>, vector<1x16xf32>,
        %swap3A_640 = arith.index_cast %add3A_624 : i32 to index
        %swap3A_641 = arith.constant 48 : index
        %swap3A_642 = tpu.vector_load %arg8[%swap3A_640, %swap3A_641] {strides = array<i32>} : memref<128x128xf32, #tpu.memory_space<vmem>>, vector<1x16xf32>,
        %swap3A_643 = vector.shape_cast %swap3A_642 : vector<1x16xf32> to vector<16xf32>
        %swap3A_644 = vector.shape_cast %get3A_254 : vector<16xf32> to vector<1x16xf32>
        tpu.vector_store %arg8[%swap3A_640, %swap3A_641], %swap3A_644 {add = true, strides = array<i32>} : memref<128x128xf32, #tpu.memory_space<vmem>>, vector<1x16xf32>,
        %scan3A_645 = arith.constant 6 : i32
        %scan3A_646 = arith.addi %scan3A_491, %scan3A_645 : i32
        %mul3A_647 = arith.constant 1 : i32
        %mul3A_648 = arith.muli %scan3A_646, %mul3A_647 : i32
        %add3A_649 = arith.constant 0 : i32
        %add3A_650 = arith.addi %add3A_649, %mul3A_648 : i32
        %swap3A_651 = arith.index_cast %add3A_650 : i32 to index
        %swap3A_652 = arith.constant 0 : index
        %swap3A_653 = tpu.vector_load %arg8[%swap3A_651, %swap3A_652] {strides = array<i32>} : memref<128x128xf32, #tpu.memory_space<vmem>>, vector<1x16xf32>,
        %swap3A_654 = vector.shape_cast %swap3A_653 : vector<1x16xf32> to vector<16xf32>
        %swap3A_655 = vector.shape_cast %get3A_242 : vector<16xf32> to vector<1x16xf32>
        tpu.vector_store %arg8[%swap3A_651, %swap3A_652], %swap3A_655 {add = true, strides = array<i32>} : memref<128x128xf32, #tpu.memory_space<vmem>>, vector<1x16xf32>,
        %swap3A_656 = arith.index_cast %add3A_650 : i32 to index
        %swap3A_657 = arith.constant 16 : index
        %swap3A_658 = tpu.vector_load %arg8[%swap3A_656, %swap3A_657] {strides = array<i32>} : memref<128x128xf32, #tpu.memory_space<vmem>>, vector<1x16xf32>,
        %swap3A_659 = vector.shape_cast %swap3A_658 : vector<1x16xf32> to vector<16xf32>
        %swap3A_660 = vector.shape_cast %get3A_246 : vector<16xf32> to vector<1x16xf32>
        tpu.vector_store %arg8[%swap3A_656, %swap3A_657], %swap3A_660 {add = true, strides = array<i32>} : memref<128x128xf32, #tpu.memory_space<vmem>>, vector<1x16xf32>,
        %swap3A_661 = arith.index_cast %add3A_650 : i32 to index
        %swap3A_662 = arith.constant 32 : index
        %swap3A_663 = tpu.vector_load %arg8[%swap3A_661, %swap3A_662] {strides = array<i32>} : memref<128x128xf32, #tpu.memory_space<vmem>>, vector<1x16xf32>,
        %swap3A_664 = vector.shape_cast %swap3A_663 : vector<1x16xf32> to vector<16xf32>
        %swap3A_665 = vector.shape_cast %get3A_250 : vector<16xf32> to vector<1x16xf32>
        tpu.vector_store %arg8[%swap3A_661, %swap3A_662], %swap3A_665 {add = true, strides = array<i32>} : memref<128x128xf32, #tpu.memory_space<vmem>>, vector<1x16xf32>,
        %swap3A_666 = arith.index_cast %add3A_650 : i32 to index
        %swap3A_667 = arith.constant 48 : index
        %swap3A_668 = tpu.vector_load %arg8[%swap3A_666, %swap3A_667] {strides = array<i32>} : memref<128x128xf32, #tpu.memory_space<vmem>>, vector<1x16xf32>,
        %swap3A_669 = vector.shape_cast %swap3A_668 : vector<1x16xf32> to vector<16xf32>
        %swap3A_670 = vector.shape_cast %get3A_254 : vector<16xf32> to vector<1x16xf32>
        tpu.vector_store %arg8[%swap3A_666, %swap3A_667], %swap3A_670 {add = true, strides = array<i32>} : memref<128x128xf32, #tpu.memory_space<vmem>>, vector<1x16xf32>,
        %scan3A_671 = arith.constant 7 : i32
        %scan3A_672 = arith.addi %scan3A_491, %scan3A_671 : i32
        %mul3A_673 = arith.constant 1 : i32
        %mul3A_674 = arith.muli %scan3A_672, %mul3A_673 : i32
        %add3A_675 = arith.constant 0 : i32
        %add3A_676 = arith.addi %add3A_675, %mul3A_674 : i32
        %swap3A_677 = arith.index_cast %add3A_676 : i32 to index
        %swap3A_678 = arith.constant 0 : index
        %swap3A_679 = tpu.vector_load %arg8[%swap3A_677, %swap3A_678] {strides = array<i32>} : memref<128x128xf32, #tpu.memory_space<vmem>>, vector<1x16xf32>,
        %swap3A_680 = vector.shape_cast %swap3A_679 : vector<1x16xf32> to vector<16xf32>
        %swap3A_681 = vector.shape_cast %get3A_242 : vector<16xf32> to vector<1x16xf32>
        tpu.vector_store %arg8[%swap3A_677, %swap3A_678], %swap3A_681 {add = true, strides = array<i32>} : memref<128x128xf32, #tpu.memory_space<vmem>>, vector<1x16xf32>,
        %swap3A_682 = arith.index_cast %add3A_676 : i32 to index
        %swap3A_683 = arith.constant 16 : index
        %swap3A_684 = tpu.vector_load %arg8[%swap3A_682, %swap3A_683] {strides = array<i32>} : memref<128x128xf32, #tpu.memory_space<vmem>>, vector<1x16xf32>,
        %swap3A_685 = vector.shape_cast %swap3A_684 : vector<1x16xf32> to vector<16xf32>
        %swap3A_686 = vector.shape_cast %get3A_246 : vector<16xf32> to vector<1x16xf32>
        tpu.vector_store %arg8[%swap3A_682, %swap3A_683], %swap3A_686 {add = true, strides = array<i32>} : memref<128x128xf32, #tpu.memory_space<vmem>>, vector<1x16xf32>,
        %swap3A_687 = arith.index_cast %add3A_676 : i32 to index
        %swap3A_688 = arith.constant 32 : index
        %swap3A_689 = tpu.vector_load %arg8[%swap3A_687, %swap3A_688] {strides = array<i32>} : memref<128x128xf32, #tpu.memory_space<vmem>>, vector<1x16xf32>,
        %swap3A_690 = vector.shape_cast %swap3A_689 : vector<1x16xf32> to vector<16xf32>
        %swap3A_691 = vector.shape_cast %get3A_250 : vector<16xf32> to vector<1x16xf32>
        tpu.vector_store %arg8[%swap3A_687, %swap3A_688], %swap3A_691 {add = true, strides = array<i32>} : memref<128x128xf32, #tpu.memory_space<vmem>>, vector<1x16xf32>,
        %swap3A_692 = arith.index_cast %add3A_676 : i32 to index
        %swap3A_693 = arith.constant 48 : index
        %swap3A_694 = tpu.vector_load %arg8[%swap3A_692, %swap3A_693] {strides = array<i32>} : memref<128x128xf32, #tpu.memory_space<vmem>>, vector<1x16xf32>,
        %swap3A_695 = vector.shape_cast %swap3A_694 : vector<1x16xf32> to vector<16xf32>
        %swap3A_696 = vector.shape_cast %get3A_254 : vector<16xf32> to vector<1x16xf32>
        tpu.vector_store %arg8[%swap3A_692, %swap3A_693], %swap3A_696 {add = true, strides = array<i32>} : memref<128x128xf32, #tpu.memory_space<vmem>>, vector<1x16xf32>,
      }
      %scan3A_259 = arith.constant 128 : i32
      %mul3A_260 = arith.constant 128 : i32
      %mul3A_261 = arith.muli %select_n3A_238, %mul3A_260 : i32
      %dma_start3A_262 = arith.constant 0 : i32
      %dma_start3A_263 = tpu.memref_slice %arg5[%add3A_214, %mul3A_261, %dma_start3A_262] : memref<200x4096x128xf32, #tpu.memory_space<hbm>> -> memref<1x128x128xf32, #tpu.memory_space<hbm>>
      %dma_start3A_264 = tpu.memref_squeeze %dma_start3A_263 : memref<1x128x128xf32, #tpu.memory_space<hbm>> -> memref<128x128xf32, #tpu.memory_space<hbm>>
      %dma_start3A_265 = arith.constant 0 : i32
      %dma_start3A_266 = tpu.memref_slice %arg5[%add3A_214, %mul3A_261, %dma_start3A_265] : memref<200x4096x128xf32, #tpu.memory_space<hbm>> -> memref<1x128x128xf32, #tpu.memory_space<hbm>>
      %dma_start3A_267 = tpu.memref_squeeze %dma_start3A_266 : memref<1x128x128xf32, #tpu.memory_space<hbm>> -> memref<128x128xf32, #tpu.memory_space<hbm>>
      tpu.enqueue_dma source(%arg8 : memref<128x128xf32, #tpu.memory_space<vmem>>) target(%dma_start3A_267 : memref<128x128xf32, #tpu.memory_space<hbm>>) target_semaphore(%arg17 : memref<!tpu.dma_semaphore, #tpu.memory_space<semaphore_mem>>)
      %add3A_268 = arith.constant 4 : i32
      %add3A_269 = arith.addi %add3A_173, %add3A_268 : i32
      %sub3A_270 = arith.constant 1 : i32
      %sub3A_271 = arith.subi %add3A_269, %sub3A_270 : i32
      %lt3A_272 = arith.constant 200 : i32
      %lt3A_273 = arith.cmpi slt, %sub3A_271, %lt3A_272 : i32
      %convert_element_type3A_274 = arith.extui %lt3A_273 : i1 to i32
      %cond3A_275 = arith.constant 0 : i32
      %cond3A_276 = arith.cmpi ne, %convert_element_type3A_274, %cond3A_275 : i32
      scf.if %cond3A_276 {
        %ge3A = arith.constant 1 : i32
        %ge3A_491 = arith.cmpi sge, %add3A_173, %ge3A : i32
        %convert_element_type3A_492 = arith.extui %ge3A_491 : i1 to i32
        %cond3A_493 = arith.constant 0 : i32
        %cond3A_494 = arith.cmpi ne, %convert_element_type3A_492, %cond3A_493 : i32
        scf.if %cond3A_494 {
          %dma_wait3A_505 = arith.constant 0 : i32
          %dma_wait3A_506 = arith.constant 0 : i32
          %dma_wait3A_507 = arith.constant 0 : i32
          %dma_wait3A_508 = tpu.memref_slice %arg5[%dma_wait3A_505, %dma_wait3A_506, %dma_wait3A_507] : memref<200x4096x128xf32, #tpu.memory_space<hbm>> -> memref<1x128x128xf32, #tpu.memory_space<hbm>>
          %dma_wait3A_509 = tpu.memref_squeeze %dma_wait3A_508 : memref<1x128x128xf32, #tpu.memory_space<hbm>> -> memref<128x128xf32, #tpu.memory_space<hbm>>
          %dma_wait3A_510 = arith.constant 0 : i32
          %dma_wait3A_511 = arith.constant 0 : i32
          %dma_wait3A_512 = tpu.memref_slice %arg5[%dma_wait3A_505, %dma_wait3A_510, %dma_wait3A_511] : memref<200x4096x128xf32, #tpu.memory_space<hbm>> -> memref<1x128x128xf32, #tpu.memory_space<hbm>>
          %dma_wait3A_513 = tpu.memref_squeeze %dma_wait3A_512 : memref<1x128x128xf32, #tpu.memory_space<hbm>> -> memref<128x128xf32, #tpu.memory_space<hbm>>
          tpu.wait_dma2 semaphore(%arg16 : memref<!tpu.dma_semaphore, #tpu.memory_space<semaphore_mem>>) src(%arg7 : memref<128x128xf32, #tpu.memory_space<vmem>>) dst(%dma_wait3A_513 : memref<128x128xf32, #tpu.memory_space<hbm>>)
        } else {
        }
        %add3A_495 = arith.constant 4 : i32
        %add3A_496 = arith.addi %add3A_173, %add3A_495 : i32
        %sub3A_497 = arith.constant 1 : i32
        %sub3A_498 = arith.subi %add3A_496, %sub3A_497 : i32
        %dma_start3A_499 = arith.constant 0 : i32
        %dma_start3A_500 = tpu.memref_slice %arg6[%sub3A_498, %dma_start3A_499] : memref<200x128xi32, #tpu.memory_space<vmem>> -> memref<1x128xi32, #tpu.memory_space<vmem>>
        %dma_start3A_501 = tpu.memref_squeeze %dma_start3A_500 : memref<1x128xi32, #tpu.memory_space<vmem>> -> memref<128xi32, #tpu.memory_space<vmem>>
        %dma_start3A_502 = arith.constant 0 : i32
        %dma_start3A_503 = arith.constant 0 : i32
        %dma_start3A_504 = tpu.memref_slice %arg2[%dma_start3A_502, %dma_start3A_503] : memref<1000000x128xf32, #tpu.memory_space<hbm>> -> memref<1000000x128xf32, #tpu.memory_space<hbm>>
        tpu.enqueue_indirect_dma source(%dma_start3A_504 : memref<1000000x128xf32, #tpu.memory_space<hbm>>) target(%arg7 : memref<128x128xf32, #tpu.memory_space<vmem>>) offsets(%dma_start3A_501 : memref<128xi32, #tpu.memory_space<vmem>>) semaphore(%arg12 : memref<!tpu.dma_semaphore, #tpu.memory_space<semaphore_mem>>)
      } else {
      }
      %mul3A_277 = arith.constant 4 : i32
      %mul3A_278 = arith.muli %add3A_74, %mul3A_277 : i32
      %add3A_279 = arith.constant 2 : i32
      %add3A_280 = arith.addi %mul3A_278, %add3A_279 : i32
      %dma_wait3A_281 = arith.constant 0 : i32
      %dma_wait3A_282 = arith.constant 0 : i32
      %dma_wait3A_283 = arith.constant 0 : i32
      %dma_wait3A_284 = tpu.memref_slice %arg5[%dma_wait3A_281, %dma_wait3A_282, %dma_wait3A_283] : memref<200x4096x128xf32, #tpu.memory_space<hbm>> -> memref<1x128x128xf32, #tpu.memory_space<hbm>>
      %dma_wait3A_285 = tpu.memref_squeeze %dma_wait3A_284 : memref<1x128x128xf32, #tpu.memory_space<hbm>> -> memref<128x128xf32, #tpu.memory_space<hbm>>
      %dma_wait3A_286 = arith.constant 0 : i32
      %dma_wait3A_287 = arith.constant 0 : i32
      %dma_wait3A_288 = tpu.memref_slice %arg5[%dma_wait3A_281, %dma_wait3A_286, %dma_wait3A_287] : memref<200x4096x128xf32, #tpu.memory_space<hbm>> -> memref<1x128x128xf32, #tpu.memory_space<hbm>>
      %dma_wait3A_289 = tpu.memref_squeeze %dma_wait3A_288 : memref<1x128x128xf32, #tpu.memory_space<hbm>> -> memref<128x128xf32, #tpu.memory_space<hbm>>
      tpu.wait_dma2 semaphore(%arg14 : memref<!tpu.dma_semaphore, #tpu.memory_space<semaphore_mem>>) src(%dma_wait3A_289 : memref<128x128xf32, #tpu.memory_space<hbm>>) dst(%arg9 : memref<128x128xf32, #tpu.memory_space<vmem>>)
      %add3A_290 = arith.addi %mul3A_2, %add3A_280 : i32
      %rem3A_291 = arith.constant 256 : i32
      %rem3A_292 = arith.remsi %add3A_290, %rem3A_291 : i32
      %jit3A_293 = arith.constant 256 : i32
      %div3A_294 = arith.divsi %add3A_290, %jit3A_293 : i32
      %sign3A_295 = arith.constant 0 : i32
      %sign3A_296 = arith.cmpi sgt, %add3A_290, %sign3A_295 : i32
      %sign3A_297 = arith.extui %sign3A_296 : i1 to i32
      %sign3A_298 = arith.constant 0 : i32
      %sign3A_299 = arith.cmpi slt, %add3A_290, %sign3A_298 : i32
      %sign3A_300 = arith.extui %sign3A_299 : i1 to i32
      %sign3A_301 = arith.subi %sign3A_297, %sign3A_300 : i32
      %sign3A_302 = arith.constant 0 : i32
      %sign3A_303 = arith.cmpi sgt, %jit3A_293, %sign3A_302 : i32
      %sign3A_304 = arith.extui %sign3A_303 : i1 to i32
      %sign3A_305 = arith.constant 0 : i32
      %sign3A_306 = arith.cmpi slt, %jit3A_293, %sign3A_305 : i32
      %sign3A_307 = arith.extui %sign3A_306 : i1 to i32
      %sign3A_308 = arith.subi %sign3A_304, %sign3A_307 : i32
      %ne3A_309 = arith.cmpi ne, %sign3A_301, %sign3A_308 : i32
      %rem3A_310 = arith.remsi %add3A_290, %jit3A_293 : i32
      %ne3A_311 = arith.constant 0 : i32
      %ne3A_312 = arith.cmpi ne, %rem3A_310, %ne3A_311 : i32
      %and3A_313 = arith.andi %ne3A_309, %ne3A_312 : i1
      %sub3A_314 = arith.constant 1 : i32
      %sub3A_315 = arith.subi %div3A_294, %sub3A_314 : i32
      %select_n3A_316 = arith.select %and3A_313, %sub3A_315, %div3A_294 : i32
      %mul3A_317 = arith.constant 8 : i32
      %mul3A_318 = arith.muli %mul3A_317, %select_n3A_316 : i32
      %rem3A_319 = arith.constant 8 : i32
      %rem3A_320 = arith.remsi %add3A_290, %rem3A_319 : i32
      %add3A_321 = arith.addi %mul3A_318, %rem3A_320 : i32
      %jit3A_322 = arith.constant 8 : i32
      %div3A_323 = arith.divsi %rem3A_292, %jit3A_322 : i32
      %sign3A_324 = arith.constant 0 : i32
      %sign3A_325 = arith.cmpi sgt, %rem3A_292, %sign3A_324 : i32
      %sign3A_326 = arith.extui %sign3A_325 : i1 to i32
      %sign3A_327 = arith.constant 0 : i32
      %sign3A_328 = arith.cmpi slt, %rem3A_292, %sign3A_327 : i32
      %sign3A_329 = arith.extui %sign3A_328 : i1 to i32
      %sign3A_330 = arith.subi %sign3A_326, %sign3A_329 : i32
      %sign3A_331 = arith.constant 0 : i32
      %sign3A_332 = arith.cmpi sgt, %jit3A_322, %sign3A_331 : i32
      %sign3A_333 = arith.extui %sign3A_332 : i1 to i32
      %sign3A_334 = arith.constant 0 : i32
      %sign3A_335 = arith.cmpi slt, %jit3A_322, %sign3A_334 : i32
      %sign3A_336 = arith.extui %sign3A_335 : i1 to i32
      %sign3A_337 = arith.subi %sign3A_333, %sign3A_336 : i32
      %ne3A_338 = arith.cmpi ne, %sign3A_330, %sign3A_337 : i32
      %rem3A_339 = arith.remsi %rem3A_292, %jit3A_322 : i32
      %ne3A_340 = arith.constant 0 : i32
      %ne3A_341 = arith.cmpi ne, %rem3A_339, %ne3A_340 : i32
      %and3A_342 = arith.andi %ne3A_338, %ne3A_341 : i1
      %sub3A_343 = arith.constant 1 : i32
      %sub3A_344 = arith.subi %div3A_323, %sub3A_343 : i32
      %select_n3A_345 = arith.select %and3A_342, %sub3A_344, %div3A_323 : i32
      %get3A_346 = arith.index_cast %add3A_321 : i32 to index
      %get3A_347 = arith.constant 0 : index
      %get3A_348 = tpu.vector_load %arg11[%get3A_346, %get3A_347] {strides = array<i32>} : memref<200x64xf32, #tpu.memory_space<vmem>>, vector<1x16xf32>,
      %get3A_349 = vector.shape_cast %get3A_348 : vector<1x16xf32> to vector<16xf32>
      %get3A_350 = arith.index_cast %add3A_321 : i32 to index
      %get3A_351 = arith.constant 16 : index
      %get3A_352 = tpu.vector_load %arg11[%get3A_350, %get3A_351] {strides = array<i32>} : memref<200x64xf32, #tpu.memory_space<vmem>>, vector<1x16xf32>,
      %get3A_353 = vector.shape_cast %get3A_352 : vector<1x16xf32> to vector<16xf32>
      %get3A_354 = arith.index_cast %add3A_321 : i32 to index
      %get3A_355 = arith.constant 32 : index
      %get3A_356 = tpu.vector_load %arg11[%get3A_354, %get3A_355] {strides = array<i32>} : memref<200x64xf32, #tpu.memory_space<vmem>>, vector<1x16xf32>,
      %get3A_357 = vector.shape_cast %get3A_356 : vector<1x16xf32> to vector<16xf32>
      %get3A_358 = arith.index_cast %add3A_321 : i32 to index
      %get3A_359 = arith.constant 48 : index
      %get3A_360 = tpu.vector_load %arg11[%get3A_358, %get3A_359] {strides = array<i32>} : memref<200x64xf32, #tpu.memory_space<vmem>>, vector<1x16xf32>,
      %get3A_361 = vector.shape_cast %get3A_360 : vector<1x16xf32> to vector<16xf32>
      %scan3A_362 = arith.constant 0 : i32
      %scan3A_363 = arith.constant 128 : i32
      %scan3A_364 = arith.addi %scan3A_362, %scan3A_363 : i32
      %scan3A_365 = arith.constant 8 : i32
      scf.for %scan3A_491 = %scan3A_362 to %scan3A_364 step %scan3A_365  : i32 {
        %mul3A_492 = arith.constant 1 : i32
        %mul3A_493 = arith.muli %scan3A_491, %mul3A_492 : i32
        %add3A_494 = arith.constant 0 : i32
        %add3A_495 = arith.addi %add3A_494, %mul3A_493 : i32
        %swap3A = arith.index_cast %add3A_495 : i32 to index
        %swap3A_496 = arith.constant 0 : index
        %swap3A_497 = tpu.vector_load %arg9[%swap3A, %swap3A_496] {strides = array<i32>} : memref<128x128xf32, #tpu.memory_space<vmem>>, vector<1x16xf32>,
        %swap3A_498 = vector.shape_cast %swap3A_497 : vector<1x16xf32> to vector<16xf32>
        %swap3A_499 = vector.shape_cast %get3A_349 : vector<16xf32> to vector<1x16xf32>
        tpu.vector_store %arg9[%swap3A, %swap3A_496], %swap3A_499 {add = true, strides = array<i32>} : memref<128x128xf32, #tpu.memory_space<vmem>>, vector<1x16xf32>,
        %swap3A_500 = arith.index_cast %add3A_495 : i32 to index
        %swap3A_501 = arith.constant 16 : index
        %swap3A_502 = tpu.vector_load %arg9[%swap3A_500, %swap3A_501] {strides = array<i32>} : memref<128x128xf32, #tpu.memory_space<vmem>>, vector<1x16xf32>,
        %swap3A_503 = vector.shape_cast %swap3A_502 : vector<1x16xf32> to vector<16xf32>
        %swap3A_504 = vector.shape_cast %get3A_353 : vector<16xf32> to vector<1x16xf32>
        tpu.vector_store %arg9[%swap3A_500, %swap3A_501], %swap3A_504 {add = true, strides = array<i32>} : memref<128x128xf32, #tpu.memory_space<vmem>>, vector<1x16xf32>,
        %swap3A_505 = arith.index_cast %add3A_495 : i32 to index
        %swap3A_506 = arith.constant 32 : index
        %swap3A_507 = tpu.vector_load %arg9[%swap3A_505, %swap3A_506] {strides = array<i32>} : memref<128x128xf32, #tpu.memory_space<vmem>>, vector<1x16xf32>,
        %swap3A_508 = vector.shape_cast %swap3A_507 : vector<1x16xf32> to vector<16xf32>
        %swap3A_509 = vector.shape_cast %get3A_357 : vector<16xf32> to vector<1x16xf32>
        tpu.vector_store %arg9[%swap3A_505, %swap3A_506], %swap3A_509 {add = true, strides = array<i32>} : memref<128x128xf32, #tpu.memory_space<vmem>>, vector<1x16xf32>,
        %swap3A_510 = arith.index_cast %add3A_495 : i32 to index
        %swap3A_511 = arith.constant 48 : index
        %swap3A_512 = tpu.vector_load %arg9[%swap3A_510, %swap3A_511] {strides = array<i32>} : memref<128x128xf32, #tpu.memory_space<vmem>>, vector<1x16xf32>,
        %swap3A_513 = vector.shape_cast %swap3A_512 : vector<1x16xf32> to vector<16xf32>
        %swap3A_514 = vector.shape_cast %get3A_361 : vector<16xf32> to vector<1x16xf32>
        tpu.vector_store %arg9[%swap3A_510, %swap3A_511], %swap3A_514 {add = true, strides = array<i32>} : memref<128x128xf32, #tpu.memory_space<vmem>>, vector<1x16xf32>,
        %scan3A_515 = arith.constant 1 : i32
        %scan3A_516 = arith.addi %scan3A_491, %scan3A_515 : i32
        %mul3A_517 = arith.constant 1 : i32
        %mul3A_518 = arith.muli %scan3A_516, %mul3A_517 : i32
        %add3A_519 = arith.constant 0 : i32
        %add3A_520 = arith.addi %add3A_519, %mul3A_518 : i32
        %swap3A_521 = arith.index_cast %add3A_520 : i32 to index
        %swap3A_522 = arith.constant 0 : index
        %swap3A_523 = tpu.vector_load %arg9[%swap3A_521, %swap3A_522] {strides = array<i32>} : memref<128x128xf32, #tpu.memory_space<vmem>>, vector<1x16xf32>,
        %swap3A_524 = vector.shape_cast %swap3A_523 : vector<1x16xf32> to vector<16xf32>
        %swap3A_525 = vector.shape_cast %get3A_349 : vector<16xf32> to vector<1x16xf32>
        tpu.vector_store %arg9[%swap3A_521, %swap3A_522], %swap3A_525 {add = true, strides = array<i32>} : memref<128x128xf32, #tpu.memory_space<vmem>>, vector<1x16xf32>,
        %swap3A_526 = arith.index_cast %add3A_520 : i32 to index
        %swap3A_527 = arith.constant 16 : index
        %swap3A_528 = tpu.vector_load %arg9[%swap3A_526, %swap3A_527] {strides = array<i32>} : memref<128x128xf32, #tpu.memory_space<vmem>>, vector<1x16xf32>,
        %swap3A_529 = vector.shape_cast %swap3A_528 : vector<1x16xf32> to vector<16xf32>
        %swap3A_530 = vector.shape_cast %get3A_353 : vector<16xf32> to vector<1x16xf32>
        tpu.vector_store %arg9[%swap3A_526, %swap3A_527], %swap3A_530 {add = true, strides = array<i32>} : memref<128x128xf32, #tpu.memory_space<vmem>>, vector<1x16xf32>,
        %swap3A_531 = arith.index_cast %add3A_520 : i32 to index
        %swap3A_532 = arith.constant 32 : index
        %swap3A_533 = tpu.vector_load %arg9[%swap3A_531, %swap3A_532] {strides = array<i32>} : memref<128x128xf32, #tpu.memory_space<vmem>>, vector<1x16xf32>,
        %swap3A_534 = vector.shape_cast %swap3A_533 : vector<1x16xf32> to vector<16xf32>
        %swap3A_535 = vector.shape_cast %get3A_357 : vector<16xf32> to vector<1x16xf32>
        tpu.vector_store %arg9[%swap3A_531, %swap3A_532], %swap3A_535 {add = true, strides = array<i32>} : memref<128x128xf32, #tpu.memory_space<vmem>>, vector<1x16xf32>,
        %swap3A_536 = arith.index_cast %add3A_520 : i32 to index
        %swap3A_537 = arith.constant 48 : index
        %swap3A_538 = tpu.vector_load %arg9[%swap3A_536, %swap3A_537] {strides = array<i32>} : memref<128x128xf32, #tpu.memory_space<vmem>>, vector<1x16xf32>,
        %swap3A_539 = vector.shape_cast %swap3A_538 : vector<1x16xf32> to vector<16xf32>
        %swap3A_540 = vector.shape_cast %get3A_361 : vector<16xf32> to vector<1x16xf32>
        tpu.vector_store %arg9[%swap3A_536, %swap3A_537], %swap3A_540 {add = true, strides = array<i32>} : memref<128x128xf32, #tpu.memory_space<vmem>>, vector<1x16xf32>,
        %scan3A_541 = arith.constant 2 : i32
        %scan3A_542 = arith.addi %scan3A_491, %scan3A_541 : i32
        %mul3A_543 = arith.constant 1 : i32
        %mul3A_544 = arith.muli %scan3A_542, %mul3A_543 : i32
        %add3A_545 = arith.constant 0 : i32
        %add3A_546 = arith.addi %add3A_545, %mul3A_544 : i32
        %swap3A_547 = arith.index_cast %add3A_546 : i32 to index
        %swap3A_548 = arith.constant 0 : index
        %swap3A_549 = tpu.vector_load %arg9[%swap3A_547, %swap3A_548] {strides = array<i32>} : memref<128x128xf32, #tpu.memory_space<vmem>>, vector<1x16xf32>,
        %swap3A_550 = vector.shape_cast %swap3A_549 : vector<1x16xf32> to vector<16xf32>
        %swap3A_551 = vector.shape_cast %get3A_349 : vector<16xf32> to vector<1x16xf32>
        tpu.vector_store %arg9[%swap3A_547, %swap3A_548], %swap3A_551 {add = true, strides = array<i32>} : memref<128x128xf32, #tpu.memory_space<vmem>>, vector<1x16xf32>,
        %swap3A_552 = arith.index_cast %add3A_546 : i32 to index
        %swap3A_553 = arith.constant 16 : index
        %swap3A_554 = tpu.vector_load %arg9[%swap3A_552, %swap3A_553] {strides = array<i32>} : memref<128x128xf32, #tpu.memory_space<vmem>>, vector<1x16xf32>,
        %swap3A_555 = vector.shape_cast %swap3A_554 : vector<1x16xf32> to vector<16xf32>
        %swap3A_556 = vector.shape_cast %get3A_353 : vector<16xf32> to vector<1x16xf32>
        tpu.vector_store %arg9[%swap3A_552, %swap3A_553], %swap3A_556 {add = true, strides = array<i32>} : memref<128x128xf32, #tpu.memory_space<vmem>>, vector<1x16xf32>,
        %swap3A_557 = arith.index_cast %add3A_546 : i32 to index
        %swap3A_558 = arith.constant 32 : index
        %swap3A_559 = tpu.vector_load %arg9[%swap3A_557, %swap3A_558] {strides = array<i32>} : memref<128x128xf32, #tpu.memory_space<vmem>>, vector<1x16xf32>,
        %swap3A_560 = vector.shape_cast %swap3A_559 : vector<1x16xf32> to vector<16xf32>
        %swap3A_561 = vector.shape_cast %get3A_357 : vector<16xf32> to vector<1x16xf32>
        tpu.vector_store %arg9[%swap3A_557, %swap3A_558], %swap3A_561 {add = true, strides = array<i32>} : memref<128x128xf32, #tpu.memory_space<vmem>>, vector<1x16xf32>,
        %swap3A_562 = arith.index_cast %add3A_546 : i32 to index
        %swap3A_563 = arith.constant 48 : index
        %swap3A_564 = tpu.vector_load %arg9[%swap3A_562, %swap3A_563] {strides = array<i32>} : memref<128x128xf32, #tpu.memory_space<vmem>>, vector<1x16xf32>,
        %swap3A_565 = vector.shape_cast %swap3A_564 : vector<1x16xf32> to vector<16xf32>
        %swap3A_566 = vector.shape_cast %get3A_361 : vector<16xf32> to vector<1x16xf32>
        tpu.vector_store %arg9[%swap3A_562, %swap3A_563], %swap3A_566 {add = true, strides = array<i32>} : memref<128x128xf32, #tpu.memory_space<vmem>>, vector<1x16xf32>,
        %scan3A_567 = arith.constant 3 : i32
        %scan3A_568 = arith.addi %scan3A_491, %scan3A_567 : i32
        %mul3A_569 = arith.constant 1 : i32
        %mul3A_570 = arith.muli %scan3A_568, %mul3A_569 : i32
        %add3A_571 = arith.constant 0 : i32
        %add3A_572 = arith.addi %add3A_571, %mul3A_570 : i32
        %swap3A_573 = arith.index_cast %add3A_572 : i32 to index
        %swap3A_574 = arith.constant 0 : index
        %swap3A_575 = tpu.vector_load %arg9[%swap3A_573, %swap3A_574] {strides = array<i32>} : memref<128x128xf32, #tpu.memory_space<vmem>>, vector<1x16xf32>,
        %swap3A_576 = vector.shape_cast %swap3A_575 : vector<1x16xf32> to vector<16xf32>
        %swap3A_577 = vector.shape_cast %get3A_349 : vector<16xf32> to vector<1x16xf32>
        tpu.vector_store %arg9[%swap3A_573, %swap3A_574], %swap3A_577 {add = true, strides = array<i32>} : memref<128x128xf32, #tpu.memory_space<vmem>>, vector<1x16xf32>,
        %swap3A_578 = arith.index_cast %add3A_572 : i32 to index
        %swap3A_579 = arith.constant 16 : index
        %swap3A_580 = tpu.vector_load %arg9[%swap3A_578, %swap3A_579] {strides = array<i32>} : memref<128x128xf32, #tpu.memory_space<vmem>>, vector<1x16xf32>,
        %swap3A_581 = vector.shape_cast %swap3A_580 : vector<1x16xf32> to vector<16xf32>
        %swap3A_582 = vector.shape_cast %get3A_353 : vector<16xf32> to vector<1x16xf32>
        tpu.vector_store %arg9[%swap3A_578, %swap3A_579], %swap3A_582 {add = true, strides = array<i32>} : memref<128x128xf32, #tpu.memory_space<vmem>>, vector<1x16xf32>,
        %swap3A_583 = arith.index_cast %add3A_572 : i32 to index
        %swap3A_584 = arith.constant 32 : index
        %swap3A_585 = tpu.vector_load %arg9[%swap3A_583, %swap3A_584] {strides = array<i32>} : memref<128x128xf32, #tpu.memory_space<vmem>>, vector<1x16xf32>,
        %swap3A_586 = vector.shape_cast %swap3A_585 : vector<1x16xf32> to vector<16xf32>
        %swap3A_587 = vector.shape_cast %get3A_357 : vector<16xf32> to vector<1x16xf32>
        tpu.vector_store %arg9[%swap3A_583, %swap3A_584], %swap3A_587 {add = true, strides = array<i32>} : memref<128x128xf32, #tpu.memory_space<vmem>>, vector<1x16xf32>,
        %swap3A_588 = arith.index_cast %add3A_572 : i32 to index
        %swap3A_589 = arith.constant 48 : index
        %swap3A_590 = tpu.vector_load %arg9[%swap3A_588, %swap3A_589] {strides = array<i32>} : memref<128x128xf32, #tpu.memory_space<vmem>>, vector<1x16xf32>,
        %swap3A_591 = vector.shape_cast %swap3A_590 : vector<1x16xf32> to vector<16xf32>
        %swap3A_592 = vector.shape_cast %get3A_361 : vector<16xf32> to vector<1x16xf32>
        tpu.vector_store %arg9[%swap3A_588, %swap3A_589], %swap3A_592 {add = true, strides = array<i32>} : memref<128x128xf32, #tpu.memory_space<vmem>>, vector<1x16xf32>,
        %scan3A_593 = arith.constant 4 : i32
        %scan3A_594 = arith.addi %scan3A_491, %scan3A_593 : i32
        %mul3A_595 = arith.constant 1 : i32
        %mul3A_596 = arith.muli %scan3A_594, %mul3A_595 : i32
        %add3A_597 = arith.constant 0 : i32
        %add3A_598 = arith.addi %add3A_597, %mul3A_596 : i32
        %swap3A_599 = arith.index_cast %add3A_598 : i32 to index
        %swap3A_600 = arith.constant 0 : index
        %swap3A_601 = tpu.vector_load %arg9[%swap3A_599, %swap3A_600] {strides = array<i32>} : memref<128x128xf32, #tpu.memory_space<vmem>>, vector<1x16xf32>,
        %swap3A_602 = vector.shape_cast %swap3A_601 : vector<1x16xf32> to vector<16xf32>
        %swap3A_603 = vector.shape_cast %get3A_349 : vector<16xf32> to vector<1x16xf32>
        tpu.vector_store %arg9[%swap3A_599, %swap3A_600], %swap3A_603 {add = true, strides = array<i32>} : memref<128x128xf32, #tpu.memory_space<vmem>>, vector<1x16xf32>,
        %swap3A_604 = arith.index_cast %add3A_598 : i32 to index
        %swap3A_605 = arith.constant 16 : index
        %swap3A_606 = tpu.vector_load %arg9[%swap3A_604, %swap3A_605] {strides = array<i32>} : memref<128x128xf32, #tpu.memory_space<vmem>>, vector<1x16xf32>,
        %swap3A_607 = vector.shape_cast %swap3A_606 : vector<1x16xf32> to vector<16xf32>
        %swap3A_608 = vector.shape_cast %get3A_353 : vector<16xf32> to vector<1x16xf32>
        tpu.vector_store %arg9[%swap3A_604, %swap3A_605], %swap3A_608 {add = true, strides = array<i32>} : memref<128x128xf32, #tpu.memory_space<vmem>>, vector<1x16xf32>,
        %swap3A_609 = arith.index_cast %add3A_598 : i32 to index
        %swap3A_610 = arith.constant 32 : index
        %swap3A_611 = tpu.vector_load %arg9[%swap3A_609, %swap3A_610] {strides = array<i32>} : memref<128x128xf32, #tpu.memory_space<vmem>>, vector<1x16xf32>,
        %swap3A_612 = vector.shape_cast %swap3A_611 : vector<1x16xf32> to vector<16xf32>
        %swap3A_613 = vector.shape_cast %get3A_357 : vector<16xf32> to vector<1x16xf32>
        tpu.vector_store %arg9[%swap3A_609, %swap3A_610], %swap3A_613 {add = true, strides = array<i32>} : memref<128x128xf32, #tpu.memory_space<vmem>>, vector<1x16xf32>,
        %swap3A_614 = arith.index_cast %add3A_598 : i32 to index
        %swap3A_615 = arith.constant 48 : index
        %swap3A_616 = tpu.vector_load %arg9[%swap3A_614, %swap3A_615] {strides = array<i32>} : memref<128x128xf32, #tpu.memory_space<vmem>>, vector<1x16xf32>,
        %swap3A_617 = vector.shape_cast %swap3A_616 : vector<1x16xf32> to vector<16xf32>
        %swap3A_618 = vector.shape_cast %get3A_361 : vector<16xf32> to vector<1x16xf32>
        tpu.vector_store %arg9[%swap3A_614, %swap3A_615], %swap3A_618 {add = true, strides = array<i32>} : memref<128x128xf32, #tpu.memory_space<vmem>>, vector<1x16xf32>,
        %scan3A_619 = arith.constant 5 : i32
        %scan3A_620 = arith.addi %scan3A_491, %scan3A_619 : i32
        %mul3A_621 = arith.constant 1 : i32
        %mul3A_622 = arith.muli %scan3A_620, %mul3A_621 : i32
        %add3A_623 = arith.constant 0 : i32
        %add3A_624 = arith.addi %add3A_623, %mul3A_622 : i32
        %swap3A_625 = arith.index_cast %add3A_624 : i32 to index
        %swap3A_626 = arith.constant 0 : index
        %swap3A_627 = tpu.vector_load %arg9[%swap3A_625, %swap3A_626] {strides = array<i32>} : memref<128x128xf32, #tpu.memory_space<vmem>>, vector<1x16xf32>,
        %swap3A_628 = vector.shape_cast %swap3A_627 : vector<1x16xf32> to vector<16xf32>
        %swap3A_629 = vector.shape_cast %get3A_349 : vector<16xf32> to vector<1x16xf32>
        tpu.vector_store %arg9[%swap3A_625, %swap3A_626], %swap3A_629 {add = true, strides = array<i32>} : memref<128x128xf32, #tpu.memory_space<vmem>>, vector<1x16xf32>,
        %swap3A_630 = arith.index_cast %add3A_624 : i32 to index
        %swap3A_631 = arith.constant 16 : index
        %swap3A_632 = tpu.vector_load %arg9[%swap3A_630, %swap3A_631] {strides = array<i32>} : memref<128x128xf32, #tpu.memory_space<vmem>>, vector<1x16xf32>,
        %swap3A_633 = vector.shape_cast %swap3A_632 : vector<1x16xf32> to vector<16xf32>
        %swap3A_634 = vector.shape_cast %get3A_353 : vector<16xf32> to vector<1x16xf32>
        tpu.vector_store %arg9[%swap3A_630, %swap3A_631], %swap3A_634 {add = true, strides = array<i32>} : memref<128x128xf32, #tpu.memory_space<vmem>>, vector<1x16xf32>,
        %swap3A_635 = arith.index_cast %add3A_624 : i32 to index
        %swap3A_636 = arith.constant 32 : index
        %swap3A_637 = tpu.vector_load %arg9[%swap3A_635, %swap3A_636] {strides = array<i32>} : memref<128x128xf32, #tpu.memory_space<vmem>>, vector<1x16xf32>,
        %swap3A_638 = vector.shape_cast %swap3A_637 : vector<1x16xf32> to vector<16xf32>
        %swap3A_639 = vector.shape_cast %get3A_357 : vector<16xf32> to vector<1x16xf32>
        tpu.vector_store %arg9[%swap3A_635, %swap3A_636], %swap3A_639 {add = true, strides = array<i32>} : memref<128x128xf32, #tpu.memory_space<vmem>>, vector<1x16xf32>,
        %swap3A_640 = arith.index_cast %add3A_624 : i32 to index
        %swap3A_641 = arith.constant 48 : index
        %swap3A_642 = tpu.vector_load %arg9[%swap3A_640, %swap3A_641] {strides = array<i32>} : memref<128x128xf32, #tpu.memory_space<vmem>>, vector<1x16xf32>,
        %swap3A_643 = vector.shape_cast %swap3A_642 : vector<1x16xf32> to vector<16xf32>
        %swap3A_644 = vector.shape_cast %get3A_361 : vector<16xf32> to vector<1x16xf32>
        tpu.vector_store %arg9[%swap3A_640, %swap3A_641], %swap3A_644 {add = true, strides = array<i32>} : memref<128x128xf32, #tpu.memory_space<vmem>>, vector<1x16xf32>,
        %scan3A_645 = arith.constant 6 : i32
        %scan3A_646 = arith.addi %scan3A_491, %scan3A_645 : i32
        %mul3A_647 = arith.constant 1 : i32
        %mul3A_648 = arith.muli %scan3A_646, %mul3A_647 : i32
        %add3A_649 = arith.constant 0 : i32
        %add3A_650 = arith.addi %add3A_649, %mul3A_648 : i32
        %swap3A_651 = arith.index_cast %add3A_650 : i32 to index
        %swap3A_652 = arith.constant 0 : index
        %swap3A_653 = tpu.vector_load %arg9[%swap3A_651, %swap3A_652] {strides = array<i32>} : memref<128x128xf32, #tpu.memory_space<vmem>>, vector<1x16xf32>,
        %swap3A_654 = vector.shape_cast %swap3A_653 : vector<1x16xf32> to vector<16xf32>
        %swap3A_655 = vector.shape_cast %get3A_349 : vector<16xf32> to vector<1x16xf32>
        tpu.vector_store %arg9[%swap3A_651, %swap3A_652], %swap3A_655 {add = true, strides = array<i32>} : memref<128x128xf32, #tpu.memory_space<vmem>>, vector<1x16xf32>,
        %swap3A_656 = arith.index_cast %add3A_650 : i32 to index
        %swap3A_657 = arith.constant 16 : index
        %swap3A_658 = tpu.vector_load %arg9[%swap3A_656, %swap3A_657] {strides = array<i32>} : memref<128x128xf32, #tpu.memory_space<vmem>>, vector<1x16xf32>,
        %swap3A_659 = vector.shape_cast %swap3A_658 : vector<1x16xf32> to vector<16xf32>
        %swap3A_660 = vector.shape_cast %get3A_353 : vector<16xf32> to vector<1x16xf32>
        tpu.vector_store %arg9[%swap3A_656, %swap3A_657], %swap3A_660 {add = true, strides = array<i32>} : memref<128x128xf32, #tpu.memory_space<vmem>>, vector<1x16xf32>,
        %swap3A_661 = arith.index_cast %add3A_650 : i32 to index
        %swap3A_662 = arith.constant 32 : index
        %swap3A_663 = tpu.vector_load %arg9[%swap3A_661, %swap3A_662] {strides = array<i32>} : memref<128x128xf32, #tpu.memory_space<vmem>>, vector<1x16xf32>,
        %swap3A_664 = vector.shape_cast %swap3A_663 : vector<1x16xf32> to vector<16xf32>
        %swap3A_665 = vector.shape_cast %get3A_357 : vector<16xf32> to vector<1x16xf32>
        tpu.vector_store %arg9[%swap3A_661, %swap3A_662], %swap3A_665 {add = true, strides = array<i32>} : memref<128x128xf32, #tpu.memory_space<vmem>>, vector<1x16xf32>,
        %swap3A_666 = arith.index_cast %add3A_650 : i32 to index
        %swap3A_667 = arith.constant 48 : index
        %swap3A_668 = tpu.vector_load %arg9[%swap3A_666, %swap3A_667] {strides = array<i32>} : memref<128x128xf32, #tpu.memory_space<vmem>>, vector<1x16xf32>,
        %swap3A_669 = vector.shape_cast %swap3A_668 : vector<1x16xf32> to vector<16xf32>
        %swap3A_670 = vector.shape_cast %get3A_361 : vector<16xf32> to vector<1x16xf32>
        tpu.vector_store %arg9[%swap3A_666, %swap3A_667], %swap3A_670 {add = true, strides = array<i32>} : memref<128x128xf32, #tpu.memory_space<vmem>>, vector<1x16xf32>,
        %scan3A_671 = arith.constant 7 : i32
        %scan3A_672 = arith.addi %scan3A_491, %scan3A_671 : i32
        %mul3A_673 = arith.constant 1 : i32
        %mul3A_674 = arith.muli %scan3A_672, %mul3A_673 : i32
        %add3A_675 = arith.constant 0 : i32
        %add3A_676 = arith.addi %add3A_675, %mul3A_674 : i32
        %swap3A_677 = arith.index_cast %add3A_676 : i32 to index
        %swap3A_678 = arith.constant 0 : index
        %swap3A_679 = tpu.vector_load %arg9[%swap3A_677, %swap3A_678] {strides = array<i32>} : memref<128x128xf32, #tpu.memory_space<vmem>>, vector<1x16xf32>,
        %swap3A_680 = vector.shape_cast %swap3A_679 : vector<1x16xf32> to vector<16xf32>
        %swap3A_681 = vector.shape_cast %get3A_349 : vector<16xf32> to vector<1x16xf32>
        tpu.vector_store %arg9[%swap3A_677, %swap3A_678], %swap3A_681 {add = true, strides = array<i32>} : memref<128x128xf32, #tpu.memory_space<vmem>>, vector<1x16xf32>,
        %swap3A_682 = arith.index_cast %add3A_676 : i32 to index
        %swap3A_683 = arith.constant 16 : index
        %swap3A_684 = tpu.vector_load %arg9[%swap3A_682, %swap3A_683] {strides = array<i32>} : memref<128x128xf32, #tpu.memory_space<vmem>>, vector<1x16xf32>,
        %swap3A_685 = vector.shape_cast %swap3A_684 : vector<1x16xf32> to vector<16xf32>
        %swap3A_686 = vector.shape_cast %get3A_353 : vector<16xf32> to vector<1x16xf32>
        tpu.vector_store %arg9[%swap3A_682, %swap3A_683], %swap3A_686 {add = true, strides = array<i32>} : memref<128x128xf32, #tpu.memory_space<vmem>>, vector<1x16xf32>,
        %swap3A_687 = arith.index_cast %add3A_676 : i32 to index
        %swap3A_688 = arith.constant 32 : index
        %swap3A_689 = tpu.vector_load %arg9[%swap3A_687, %swap3A_688] {strides = array<i32>} : memref<128x128xf32, #tpu.memory_space<vmem>>, vector<1x16xf32>,
        %swap3A_690 = vector.shape_cast %swap3A_689 : vector<1x16xf32> to vector<16xf32>
        %swap3A_691 = vector.shape_cast %get3A_357 : vector<16xf32> to vector<1x16xf32>
        tpu.vector_store %arg9[%swap3A_687, %swap3A_688], %swap3A_691 {add = true, strides = array<i32>} : memref<128x128xf32, #tpu.memory_space<vmem>>, vector<1x16xf32>,
        %swap3A_692 = arith.index_cast %add3A_676 : i32 to index
        %swap3A_693 = arith.constant 48 : index
        %swap3A_694 = tpu.vector_load %arg9[%swap3A_692, %swap3A_693] {strides = array<i32>} : memref<128x128xf32, #tpu.memory_space<vmem>>, vector<1x16xf32>,
        %swap3A_695 = vector.shape_cast %swap3A_694 : vector<1x16xf32> to vector<16xf32>
        %swap3A_696 = vector.shape_cast %get3A_361 : vector<16xf32> to vector<1x16xf32>
        tpu.vector_store %arg9[%swap3A_692, %swap3A_693], %swap3A_696 {add = true, strides = array<i32>} : memref<128x128xf32, #tpu.memory_space<vmem>>, vector<1x16xf32>,
      }
      %scan3A_366 = arith.constant 128 : i32
      %mul3A_367 = arith.constant 128 : i32
      %mul3A_368 = arith.muli %select_n3A_345, %mul3A_367 : i32
      %dma_start3A_369 = arith.constant 0 : i32
      %dma_start3A_370 = tpu.memref_slice %arg5[%add3A_321, %mul3A_368, %dma_start3A_369] : memref<200x4096x128xf32, #tpu.memory_space<hbm>> -> memref<1x128x128xf32, #tpu.memory_space<hbm>>
      %dma_start3A_371 = tpu.memref_squeeze %dma_start3A_370 : memref<1x128x128xf32, #tpu.memory_space<hbm>> -> memref<128x128xf32, #tpu.memory_space<hbm>>
      %dma_start3A_372 = arith.constant 0 : i32
      %dma_start3A_373 = tpu.memref_slice %arg5[%add3A_321, %mul3A_368, %dma_start3A_372] : memref<200x4096x128xf32, #tpu.memory_space<hbm>> -> memref<1x128x128xf32, #tpu.memory_space<hbm>>
      %dma_start3A_374 = tpu.memref_squeeze %dma_start3A_373 : memref<1x128x128xf32, #tpu.memory_space<hbm>> -> memref<128x128xf32, #tpu.memory_space<hbm>>
      tpu.enqueue_dma source(%arg9 : memref<128x128xf32, #tpu.memory_space<vmem>>) target(%dma_start3A_374 : memref<128x128xf32, #tpu.memory_space<hbm>>) target_semaphore(%arg18 : memref<!tpu.dma_semaphore, #tpu.memory_space<semaphore_mem>>)
      %add3A_375 = arith.constant 4 : i32
      %add3A_376 = arith.addi %add3A_280, %add3A_375 : i32
      %sub3A_377 = arith.constant 1 : i32
      %sub3A_378 = arith.subi %add3A_376, %sub3A_377 : i32
      %lt3A_379 = arith.constant 200 : i32
      %lt3A_380 = arith.cmpi slt, %sub3A_378, %lt3A_379 : i32
      %convert_element_type3A_381 = arith.extui %lt3A_380 : i1 to i32
      %cond3A_382 = arith.constant 0 : i32
      %cond3A_383 = arith.cmpi ne, %convert_element_type3A_381, %cond3A_382 : i32
      scf.if %cond3A_383 {
        %ge3A = arith.constant 1 : i32
        %ge3A_491 = arith.cmpi sge, %add3A_280, %ge3A : i32
        %convert_element_type3A_492 = arith.extui %ge3A_491 : i1 to i32
        %cond3A_493 = arith.constant 0 : i32
        %cond3A_494 = arith.cmpi ne, %convert_element_type3A_492, %cond3A_493 : i32
        scf.if %cond3A_494 {
          %dma_wait3A_505 = arith.constant 0 : i32
          %dma_wait3A_506 = arith.constant 0 : i32
          %dma_wait3A_507 = arith.constant 0 : i32
          %dma_wait3A_508 = tpu.memref_slice %arg5[%dma_wait3A_505, %dma_wait3A_506, %dma_wait3A_507] : memref<200x4096x128xf32, #tpu.memory_space<hbm>> -> memref<1x128x128xf32, #tpu.memory_space<hbm>>
          %dma_wait3A_509 = tpu.memref_squeeze %dma_wait3A_508 : memref<1x128x128xf32, #tpu.memory_space<hbm>> -> memref<128x128xf32, #tpu.memory_space<hbm>>
          %dma_wait3A_510 = arith.constant 0 : i32
          %dma_wait3A_511 = arith.constant 0 : i32
          %dma_wait3A_512 = tpu.memref_slice %arg5[%dma_wait3A_505, %dma_wait3A_510, %dma_wait3A_511] : memref<200x4096x128xf32, #tpu.memory_space<hbm>> -> memref<1x128x128xf32, #tpu.memory_space<hbm>>
          %dma_wait3A_513 = tpu.memref_squeeze %dma_wait3A_512 : memref<1x128x128xf32, #tpu.memory_space<hbm>> -> memref<128x128xf32, #tpu.memory_space<hbm>>
          tpu.wait_dma2 semaphore(%arg17 : memref<!tpu.dma_semaphore, #tpu.memory_space<semaphore_mem>>) src(%arg8 : memref<128x128xf32, #tpu.memory_space<vmem>>) dst(%dma_wait3A_513 : memref<128x128xf32, #tpu.memory_space<hbm>>)
        } else {
        }
        %add3A_495 = arith.constant 4 : i32
        %add3A_496 = arith.addi %add3A_280, %add3A_495 : i32
        %sub3A_497 = arith.constant 1 : i32
        %sub3A_498 = arith.subi %add3A_496, %sub3A_497 : i32
        %dma_start3A_499 = arith.constant 0 : i32
        %dma_start3A_500 = tpu.memref_slice %arg6[%sub3A_498, %dma_start3A_499] : memref<200x128xi32, #tpu.memory_space<vmem>> -> memref<1x128xi32, #tpu.memory_space<vmem>>
        %dma_start3A_501 = tpu.memref_squeeze %dma_start3A_500 : memref<1x128xi32, #tpu.memory_space<vmem>> -> memref<128xi32, #tpu.memory_space<vmem>>
        %dma_start3A_502 = arith.constant 0 : i32
        %dma_start3A_503 = arith.constant 0 : i32
        %dma_start3A_504 = tpu.memref_slice %arg2[%dma_start3A_502, %dma_start3A_503] : memref<1000000x128xf32, #tpu.memory_space<hbm>> -> memref<1000000x128xf32, #tpu.memory_space<hbm>>
        tpu.enqueue_indirect_dma source(%dma_start3A_504 : memref<1000000x128xf32, #tpu.memory_space<hbm>>) target(%arg8 : memref<128x128xf32, #tpu.memory_space<vmem>>) offsets(%dma_start3A_501 : memref<128xi32, #tpu.memory_space<vmem>>) semaphore(%arg13 : memref<!tpu.dma_semaphore, #tpu.memory_space<semaphore_mem>>)
      } else {
      }
      %mul3A_384 = arith.constant 4 : i32
      %mul3A_385 = arith.muli %add3A_74, %mul3A_384 : i32
      %add3A_386 = arith.constant 3 : i32
      %add3A_387 = arith.addi %mul3A_385, %add3A_386 : i32
      %dma_wait3A_388 = arith.constant 0 : i32
      %dma_wait3A_389 = arith.constant 0 : i32
      %dma_wait3A_390 = arith.constant 0 : i32
      %dma_wait3A_391 = tpu.memref_slice %arg5[%dma_wait3A_388, %dma_wait3A_389, %dma_wait3A_390] : memref<200x4096x128xf32, #tpu.memory_space<hbm>> -> memref<1x128x128xf32, #tpu.memory_space<hbm>>
      %dma_wait3A_392 = tpu.memref_squeeze %dma_wait3A_391 : memref<1x128x128xf32, #tpu.memory_space<hbm>> -> memref<128x128xf32, #tpu.memory_space<hbm>>
      %dma_wait3A_393 = arith.constant 0 : i32
      %dma_wait3A_394 = arith.constant 0 : i32
      %dma_wait3A_395 = tpu.memref_slice %arg5[%dma_wait3A_388, %dma_wait3A_393, %dma_wait3A_394] : memref<200x4096x128xf32, #tpu.memory_space<hbm>> -> memref<1x128x128xf32, #tpu.memory_space<hbm>>
      %dma_wait3A_396 = tpu.memref_squeeze %dma_wait3A_395 : memref<1x128x128xf32, #tpu.memory_space<hbm>> -> memref<128x128xf32, #tpu.memory_space<hbm>>
      tpu.wait_dma2 semaphore(%arg15 : memref<!tpu.dma_semaphore, #tpu.memory_space<semaphore_mem>>) src(%dma_wait3A_396 : memref<128x128xf32, #tpu.memory_space<hbm>>) dst(%arg10 : memref<128x128xf32, #tpu.memory_space<vmem>>)
      %add3A_397 = arith.addi %mul3A_2, %add3A_387 : i32
      %rem3A_398 = arith.constant 256 : i32
      %rem3A_399 = arith.remsi %add3A_397, %rem3A_398 : i32
      %jit3A_400 = arith.constant 256 : i32
      %div3A_401 = arith.divsi %add3A_397, %jit3A_400 : i32
      %sign3A_402 = arith.constant 0 : i32
      %sign3A_403 = arith.cmpi sgt, %add3A_397, %sign3A_402 : i32
      %sign3A_404 = arith.extui %sign3A_403 : i1 to i32
      %sign3A_405 = arith.constant 0 : i32
      %sign3A_406 = arith.cmpi slt, %add3A_397, %sign3A_405 : i32
      %sign3A_407 = arith.extui %sign3A_406 : i1 to i32
      %sign3A_408 = arith.subi %sign3A_404, %sign3A_407 : i32
      %sign3A_409 = arith.constant 0 : i32
      %sign3A_410 = arith.cmpi sgt, %jit3A_400, %sign3A_409 : i32
      %sign3A_411 = arith.extui %sign3A_410 : i1 to i32
      %sign3A_412 = arith.constant 0 : i32
      %sign3A_413 = arith.cmpi slt, %jit3A_400, %sign3A_412 : i32
      %sign3A_414 = arith.extui %sign3A_413 : i1 to i32
      %sign3A_415 = arith.subi %sign3A_411, %sign3A_414 : i32
      %ne3A_416 = arith.cmpi ne, %sign3A_408, %sign3A_415 : i32
      %rem3A_417 = arith.remsi %add3A_397, %jit3A_400 : i32
      %ne3A_418 = arith.constant 0 : i32
      %ne3A_419 = arith.cmpi ne, %rem3A_417, %ne3A_418 : i32
      %and3A_420 = arith.andi %ne3A_416, %ne3A_419 : i1
      %sub3A_421 = arith.constant 1 : i32
      %sub3A_422 = arith.subi %div3A_401, %sub3A_421 : i32
      %select_n3A_423 = arith.select %and3A_420, %sub3A_422, %div3A_401 : i32
      %mul3A_424 = arith.constant 8 : i32
      %mul3A_425 = arith.muli %mul3A_424, %select_n3A_423 : i32
      %rem3A_426 = arith.constant 8 : i32
      %rem3A_427 = arith.remsi %add3A_397, %rem3A_426 : i32
      %add3A_428 = arith.addi %mul3A_425, %rem3A_427 : i32
      %jit3A_429 = arith.constant 8 : i32
      %div3A_430 = arith.divsi %rem3A_399, %jit3A_429 : i32
      %sign3A_431 = arith.constant 0 : i32
      %sign3A_432 = arith.cmpi sgt, %rem3A_399, %sign3A_431 : i32
      %sign3A_433 = arith.extui %sign3A_432 : i1 to i32
      %sign3A_434 = arith.constant 0 : i32
      %sign3A_435 = arith.cmpi slt, %rem3A_399, %sign3A_434 : i32
      %sign3A_436 = arith.extui %sign3A_435 : i1 to i32
      %sign3A_437 = arith.subi %sign3A_433, %sign3A_436 : i32
      %sign3A_438 = arith.constant 0 : i32
      %sign3A_439 = arith.cmpi sgt, %jit3A_429, %sign3A_438 : i32
      %sign3A_440 = arith.extui %sign3A_439 : i1 to i32
      %sign3A_441 = arith.constant 0 : i32
      %sign3A_442 = arith.cmpi slt, %jit3A_429, %sign3A_441 : i32
      %sign3A_443 = arith.extui %sign3A_442 : i1 to i32
      %sign3A_444 = arith.subi %sign3A_440, %sign3A_443 : i32
      %ne3A_445 = arith.cmpi ne, %sign3A_437, %sign3A_444 : i32
      %rem3A_446 = arith.remsi %rem3A_399, %jit3A_429 : i32
      %ne3A_447 = arith.constant 0 : i32
      %ne3A_448 = arith.cmpi ne, %rem3A_446, %ne3A_447 : i32
      %and3A_449 = arith.andi %ne3A_445, %ne3A_448 : i1
      %sub3A_450 = arith.constant 1 : i32
      %sub3A_451 = arith.subi %div3A_430, %sub3A_450 : i32
      %select_n3A_452 = arith.select %and3A_449, %sub3A_451, %div3A_430 : i32
      %get3A_453 = arith.index_cast %add3A_428 : i32 to index
      %get3A_454 = arith.constant 0 : index
      %get3A_455 = tpu.vector_load %arg11[%get3A_453, %get3A_454] {strides = array<i32>} : memref<200x64xf32, #tpu.memory_space<vmem>>, vector<1x16xf32>,
      %get3A_456 = vector.shape_cast %get3A_455 : vector<1x16xf32> to vector<16xf32>
      %get3A_457 = arith.index_cast %add3A_428 : i32 to index
      %get3A_458 = arith.constant 16 : index
      %get3A_459 = tpu.vector_load %arg11[%get3A_457, %get3A_458] {strides = array<i32>} : memref<200x64xf32, #tpu.memory_space<vmem>>, vector<1x16xf32>,
      %get3A_460 = vector.shape_cast %get3A_459 : vector<1x16xf32> to vector<16xf32>
      %get3A_461 = arith.index_cast %add3A_428 : i32 to index
      %get3A_462 = arith.constant 32 : index
      %get3A_463 = tpu.vector_load %arg11[%get3A_461, %get3A_462] {strides = array<i32>} : memref<200x64xf32, #tpu.memory_space<vmem>>, vector<1x16xf32>,
      %get3A_464 = vector.shape_cast %get3A_463 : vector<1x16xf32> to vector<16xf32>
      %get3A_465 = arith.index_cast %add3A_428 : i32 to index
      %get3A_466 = arith.constant 48 : index
      %get3A_467 = tpu.vector_load %arg11[%get3A_465, %get3A_466] {strides = array<i32>} : memref<200x64xf32, #tpu.memory_space<vmem>>, vector<1x16xf32>,
      %get3A_468 = vector.shape_cast %get3A_467 : vector<1x16xf32> to vector<16xf32>
      %scan3A_469 = arith.constant 0 : i32
      %scan3A_470 = arith.constant 128 : i32
      %scan3A_471 = arith.addi %scan3A_469, %scan3A_470 : i32
      %scan3A_472 = arith.constant 8 : i32
      scf.for %scan3A_491 = %scan3A_469 to %scan3A_471 step %scan3A_472  : i32 {
        %mul3A_492 = arith.constant 1 : i32
        %mul3A_493 = arith.muli %scan3A_491, %mul3A_492 : i32
        %add3A_494 = arith.constant 0 : i32
        %add3A_495 = arith.addi %add3A_494, %mul3A_493 : i32
        %swap3A = arith.index_cast %add3A_495 : i32 to index
        %swap3A_496 = arith.constant 0 : index
        %swap3A_497 = tpu.vector_load %arg10[%swap3A, %swap3A_496] {strides = array<i32>} : memref<128x128xf32, #tpu.memory_space<vmem>>, vector<1x16xf32>,
        %swap3A_498 = vector.shape_cast %swap3A_497 : vector<1x16xf32> to vector<16xf32>
        %swap3A_499 = vector.shape_cast %get3A_456 : vector<16xf32> to vector<1x16xf32>
        tpu.vector_store %arg10[%swap3A, %swap3A_496], %swap3A_499 {add = true, strides = array<i32>} : memref<128x128xf32, #tpu.memory_space<vmem>>, vector<1x16xf32>,
        %swap3A_500 = arith.index_cast %add3A_495 : i32 to index
        %swap3A_501 = arith.constant 16 : index
        %swap3A_502 = tpu.vector_load %arg10[%swap3A_500, %swap3A_501] {strides = array<i32>} : memref<128x128xf32, #tpu.memory_space<vmem>>, vector<1x16xf32>,
        %swap3A_503 = vector.shape_cast %swap3A_502 : vector<1x16xf32> to vector<16xf32>
        %swap3A_504 = vector.shape_cast %get3A_460 : vector<16xf32> to vector<1x16xf32>
        tpu.vector_store %arg10[%swap3A_500, %swap3A_501], %swap3A_504 {add = true, strides = array<i32>} : memref<128x128xf32, #tpu.memory_space<vmem>>, vector<1x16xf32>,
        %swap3A_505 = arith.index_cast %add3A_495 : i32 to index
        %swap3A_506 = arith.constant 32 : index
        %swap3A_507 = tpu.vector_load %arg10[%swap3A_505, %swap3A_506] {strides = array<i32>} : memref<128x128xf32, #tpu.memory_space<vmem>>, vector<1x16xf32>,
        %swap3A_508 = vector.shape_cast %swap3A_507 : vector<1x16xf32> to vector<16xf32>
        %swap3A_509 = vector.shape_cast %get3A_464 : vector<16xf32> to vector<1x16xf32>
        tpu.vector_store %arg10[%swap3A_505, %swap3A_506], %swap3A_509 {add = true, strides = array<i32>} : memref<128x128xf32, #tpu.memory_space<vmem>>, vector<1x16xf32>,
        %swap3A_510 = arith.index_cast %add3A_495 : i32 to index
        %swap3A_511 = arith.constant 48 : index
        %swap3A_512 = tpu.vector_load %arg10[%swap3A_510, %swap3A_511] {strides = array<i32>} : memref<128x128xf32, #tpu.memory_space<vmem>>, vector<1x16xf32>,
        %swap3A_513 = vector.shape_cast %swap3A_512 : vector<1x16xf32> to vector<16xf32>
        %swap3A_514 = vector.shape_cast %get3A_468 : vector<16xf32> to vector<1x16xf32>
        tpu.vector_store %arg10[%swap3A_510, %swap3A_511], %swap3A_514 {add = true, strides = array<i32>} : memref<128x128xf32, #tpu.memory_space<vmem>>, vector<1x16xf32>,
        %scan3A_515 = arith.constant 1 : i32
        %scan3A_516 = arith.addi %scan3A_491, %scan3A_515 : i32
        %mul3A_517 = arith.constant 1 : i32
        %mul3A_518 = arith.muli %scan3A_516, %mul3A_517 : i32
        %add3A_519 = arith.constant 0 : i32
        %add3A_520 = arith.addi %add3A_519, %mul3A_518 : i32
        %swap3A_521 = arith.index_cast %add3A_520 : i32 to index
        %swap3A_522 = arith.constant 0 : index
        %swap3A_523 = tpu.vector_load %arg10[%swap3A_521, %swap3A_522] {strides = array<i32>} : memref<128x128xf32, #tpu.memory_space<vmem>>, vector<1x16xf32>,
        %swap3A_524 = vector.shape_cast %swap3A_523 : vector<1x16xf32> to vector<16xf32>
        %swap3A_525 = vector.shape_cast %get3A_456 : vector<16xf32> to vector<1x16xf32>
        tpu.vector_store %arg10[%swap3A_521, %swap3A_522], %swap3A_525 {add = true, strides = array<i32>} : memref<128x128xf32, #tpu.memory_space<vmem>>, vector<1x16xf32>,
        %swap3A_526 = arith.index_cast %add3A_520 : i32 to index
        %swap3A_527 = arith.constant 16 : index
        %swap3A_528 = tpu.vector_load %arg10[%swap3A_526, %swap3A_527] {strides = array<i32>} : memref<128x128xf32, #tpu.memory_space<vmem>>, vector<1x16xf32>,
        %swap3A_529 = vector.shape_cast %swap3A_528 : vector<1x16xf32> to vector<16xf32>
        %swap3A_530 = vector.shape_cast %get3A_460 : vector<16xf32> to vector<1x16xf32>
        tpu.vector_store %arg10[%swap3A_526, %swap3A_527], %swap3A_530 {add = true, strides = array<i32>} : memref<128x128xf32, #tpu.memory_space<vmem>>, vector<1x16xf32>,
        %swap3A_531 = arith.index_cast %add3A_520 : i32 to index
        %swap3A_532 = arith.constant 32 : index
        %swap3A_533 = tpu.vector_load %arg10[%swap3A_531, %swap3A_532] {strides = array<i32>} : memref<128x128xf32, #tpu.memory_space<vmem>>, vector<1x16xf32>,
        %swap3A_534 = vector.shape_cast %swap3A_533 : vector<1x16xf32> to vector<16xf32>
        %swap3A_535 = vector.shape_cast %get3A_464 : vector<16xf32> to vector<1x16xf32>
        tpu.vector_store %arg10[%swap3A_531, %swap3A_532], %swap3A_535 {add = true, strides = array<i32>} : memref<128x128xf32, #tpu.memory_space<vmem>>, vector<1x16xf32>,
        %swap3A_536 = arith.index_cast %add3A_520 : i32 to index
        %swap3A_537 = arith.constant 48 : index
        %swap3A_538 = tpu.vector_load %arg10[%swap3A_536, %swap3A_537] {strides = array<i32>} : memref<128x128xf32, #tpu.memory_space<vmem>>, vector<1x16xf32>,
        %swap3A_539 = vector.shape_cast %swap3A_538 : vector<1x16xf32> to vector<16xf32>
        %swap3A_540 = vector.shape_cast %get3A_468 : vector<16xf32> to vector<1x16xf32>
        tpu.vector_store %arg10[%swap3A_536, %swap3A_537], %swap3A_540 {add = true, strides = array<i32>} : memref<128x128xf32, #tpu.memory_space<vmem>>, vector<1x16xf32>,
        %scan3A_541 = arith.constant 2 : i32
        %scan3A_542 = arith.addi %scan3A_491, %scan3A_541 : i32
        %mul3A_543 = arith.constant 1 : i32
        %mul3A_544 = arith.muli %scan3A_542, %mul3A_543 : i32
        %add3A_545 = arith.constant 0 : i32
        %add3A_546 = arith.addi %add3A_545, %mul3A_544 : i32
        %swap3A_547 = arith.index_cast %add3A_546 : i32 to index
        %swap3A_548 = arith.constant 0 : index
        %swap3A_549 = tpu.vector_load %arg10[%swap3A_547, %swap3A_548] {strides = array<i32>} : memref<128x128xf32, #tpu.memory_space<vmem>>, vector<1x16xf32>,
        %swap3A_550 = vector.shape_cast %swap3A_549 : vector<1x16xf32> to vector<16xf32>
        %swap3A_551 = vector.shape_cast %get3A_456 : vector<16xf32> to vector<1x16xf32>
        tpu.vector_store %arg10[%swap3A_547, %swap3A_548], %swap3A_551 {add = true, strides = array<i32>} : memref<128x128xf32, #tpu.memory_space<vmem>>, vector<1x16xf32>,
        %swap3A_552 = arith.index_cast %add3A_546 : i32 to index
        %swap3A_553 = arith.constant 16 : index
        %swap3A_554 = tpu.vector_load %arg10[%swap3A_552, %swap3A_553] {strides = array<i32>} : memref<128x128xf32, #tpu.memory_space<vmem>>, vector<1x16xf32>,
        %swap3A_555 = vector.shape_cast %swap3A_554 : vector<1x16xf32> to vector<16xf32>
        %swap3A_556 = vector.shape_cast %get3A_460 : vector<16xf32> to vector<1x16xf32>
        tpu.vector_store %arg10[%swap3A_552, %swap3A_553], %swap3A_556 {add = true, strides = array<i32>} : memref<128x128xf32, #tpu.memory_space<vmem>>, vector<1x16xf32>,
        %swap3A_557 = arith.index_cast %add3A_546 : i32 to index
        %swap3A_558 = arith.constant 32 : index
        %swap3A_559 = tpu.vector_load %arg10[%swap3A_557, %swap3A_558] {strides = array<i32>} : memref<128x128xf32, #tpu.memory_space<vmem>>, vector<1x16xf32>,
        %swap3A_560 = vector.shape_cast %swap3A_559 : vector<1x16xf32> to vector<16xf32>
        %swap3A_561 = vector.shape_cast %get3A_464 : vector<16xf32> to vector<1x16xf32>
        tpu.vector_store %arg10[%swap3A_557, %swap3A_558], %swap3A_561 {add = true, strides = array<i32>} : memref<128x128xf32, #tpu.memory_space<vmem>>, vector<1x16xf32>,
        %swap3A_562 = arith.index_cast %add3A_546 : i32 to index
        %swap3A_563 = arith.constant 48 : index
        %swap3A_564 = tpu.vector_load %arg10[%swap3A_562, %swap3A_563] {strides = array<i32>} : memref<128x128xf32, #tpu.memory_space<vmem>>, vector<1x16xf32>,
        %swap3A_565 = vector.shape_cast %swap3A_564 : vector<1x16xf32> to vector<16xf32>
        %swap3A_566 = vector.shape_cast %get3A_468 : vector<16xf32> to vector<1x16xf32>
        tpu.vector_store %arg10[%swap3A_562, %swap3A_563], %swap3A_566 {add = true, strides = array<i32>} : memref<128x128xf32, #tpu.memory_space<vmem>>, vector<1x16xf32>,
        %scan3A_567 = arith.constant 3 : i32
        %scan3A_568 = arith.addi %scan3A_491, %scan3A_567 : i32
        %mul3A_569 = arith.constant 1 : i32
        %mul3A_570 = arith.muli %scan3A_568, %mul3A_569 : i32
        %add3A_571 = arith.constant 0 : i32
        %add3A_572 = arith.addi %add3A_571, %mul3A_570 : i32
        %swap3A_573 = arith.index_cast %add3A_572 : i32 to index
        %swap3A_574 = arith.constant 0 : index
        %swap3A_575 = tpu.vector_load %arg10[%swap3A_573, %swap3A_574] {strides = array<i32>} : memref<128x128xf32, #tpu.memory_space<vmem>>, vector<1x16xf32>,
        %swap3A_576 = vector.shape_cast %swap3A_575 : vector<1x16xf32> to vector<16xf32>
        %swap3A_577 = vector.shape_cast %get3A_456 : vector<16xf32> to vector<1x16xf32>
        tpu.vector_store %arg10[%swap3A_573, %swap3A_574], %swap3A_577 {add = true, strides = array<i32>} : memref<128x128xf32, #tpu.memory_space<vmem>>, vector<1x16xf32>,
        %swap3A_578 = arith.index_cast %add3A_572 : i32 to index
        %swap3A_579 = arith.constant 16 : index
        %swap3A_580 = tpu.vector_load %arg10[%swap3A_578, %swap3A_579] {strides = array<i32>} : memref<128x128xf32, #tpu.memory_space<vmem>>, vector<1x16xf32>,
        %swap3A_581 = vector.shape_cast %swap3A_580 : vector<1x16xf32> to vector<16xf32>
        %swap3A_582 = vector.shape_cast %get3A_460 : vector<16xf32> to vector<1x16xf32>
        tpu.vector_store %arg10[%swap3A_578, %swap3A_579], %swap3A_582 {add = true, strides = array<i32>} : memref<128x128xf32, #tpu.memory_space<vmem>>, vector<1x16xf32>,
        %swap3A_583 = arith.index_cast %add3A_572 : i32 to index
        %swap3A_584 = arith.constant 32 : index
        %swap3A_585 = tpu.vector_load %arg10[%swap3A_583, %swap3A_584] {strides = array<i32>} : memref<128x128xf32, #tpu.memory_space<vmem>>, vector<1x16xf32>,
        %swap3A_586 = vector.shape_cast %swap3A_585 : vector<1x16xf32> to vector<16xf32>
        %swap3A_587 = vector.shape_cast %get3A_464 : vector<16xf32> to vector<1x16xf32>
        tpu.vector_store %arg10[%swap3A_583, %swap3A_584], %swap3A_587 {add = true, strides = array<i32>} : memref<128x128xf32, #tpu.memory_space<vmem>>, vector<1x16xf32>,
        %swap3A_588 = arith.index_cast %add3A_572 : i32 to index
        %swap3A_589 = arith.constant 48 : index
        %swap3A_590 = tpu.vector_load %arg10[%swap3A_588, %swap3A_589] {strides = array<i32>} : memref<128x128xf32, #tpu.memory_space<vmem>>, vector<1x16xf32>,
        %swap3A_591 = vector.shape_cast %swap3A_590 : vector<1x16xf32> to vector<16xf32>
        %swap3A_592 = vector.shape_cast %get3A_468 : vector<16xf32> to vector<1x16xf32>
        tpu.vector_store %arg10[%swap3A_588, %swap3A_589], %swap3A_592 {add = true, strides = array<i32>} : memref<128x128xf32, #tpu.memory_space<vmem>>, vector<1x16xf32>,
        %scan3A_593 = arith.constant 4 : i32
        %scan3A_594 = arith.addi %scan3A_491, %scan3A_593 : i32
        %mul3A_595 = arith.constant 1 : i32
        %mul3A_596 = arith.muli %scan3A_594, %mul3A_595 : i32
        %add3A_597 = arith.constant 0 : i32
        %add3A_598 = arith.addi %add3A_597, %mul3A_596 : i32
        %swap3A_599 = arith.index_cast %add3A_598 : i32 to index
        %swap3A_600 = arith.constant 0 : index
        %swap3A_601 = tpu.vector_load %arg10[%swap3A_599, %swap3A_600] {strides = array<i32>} : memref<128x128xf32, #tpu.memory_space<vmem>>, vector<1x16xf32>,
        %swap3A_602 = vector.shape_cast %swap3A_601 : vector<1x16xf32> to vector<16xf32>
        %swap3A_603 = vector.shape_cast %get3A_456 : vector<16xf32> to vector<1x16xf32>
        tpu.vector_store %arg10[%swap3A_599, %swap3A_600], %swap3A_603 {add = true, strides = array<i32>} : memref<128x128xf32, #tpu.memory_space<vmem>>, vector<1x16xf32>,
        %swap3A_604 = arith.index_cast %add3A_598 : i32 to index
        %swap3A_605 = arith.constant 16 : index
        %swap3A_606 = tpu.vector_load %arg10[%swap3A_604, %swap3A_605] {strides = array<i32>} : memref<128x128xf32, #tpu.memory_space<vmem>>, vector<1x16xf32>,
        %swap3A_607 = vector.shape_cast %swap3A_606 : vector<1x16xf32> to vector<16xf32>
        %swap3A_608 = vector.shape_cast %get3A_460 : vector<16xf32> to vector<1x16xf32>
        tpu.vector_store %arg10[%swap3A_604, %swap3A_605], %swap3A_608 {add = true, strides = array<i32>} : memref<128x128xf32, #tpu.memory_space<vmem>>, vector<1x16xf32>,
        %swap3A_609 = arith.index_cast %add3A_598 : i32 to index
        %swap3A_610 = arith.constant 32 : index
        %swap3A_611 = tpu.vector_load %arg10[%swap3A_609, %swap3A_610] {strides = array<i32>} : memref<128x128xf32, #tpu.memory_space<vmem>>, vector<1x16xf32>,
        %swap3A_612 = vector.shape_cast %swap3A_611 : vector<1x16xf32> to vector<16xf32>
        %swap3A_613 = vector.shape_cast %get3A_464 : vector<16xf32> to vector<1x16xf32>
        tpu.vector_store %arg10[%swap3A_609, %swap3A_610], %swap3A_613 {add = true, strides = array<i32>} : memref<128x128xf32, #tpu.memory_space<vmem>>, vector<1x16xf32>,
        %swap3A_614 = arith.index_cast %add3A_598 : i32 to index
        %swap3A_615 = arith.constant 48 : index
        %swap3A_616 = tpu.vector_load %arg10[%swap3A_614, %swap3A_615] {strides = array<i32>} : memref<128x128xf32, #tpu.memory_space<vmem>>, vector<1x16xf32>,
        %swap3A_617 = vector.shape_cast %swap3A_616 : vector<1x16xf32> to vector<16xf32>
        %swap3A_618 = vector.shape_cast %get3A_468 : vector<16xf32> to vector<1x16xf32>
        tpu.vector_store %arg10[%swap3A_614, %swap3A_615], %swap3A_618 {add = true, strides = array<i32>} : memref<128x128xf32, #tpu.memory_space<vmem>>, vector<1x16xf32>,
        %scan3A_619 = arith.constant 5 : i32
        %scan3A_620 = arith.addi %scan3A_491, %scan3A_619 : i32
        %mul3A_621 = arith.constant 1 : i32
        %mul3A_622 = arith.muli %scan3A_620, %mul3A_621 : i32
        %add3A_623 = arith.constant 0 : i32
        %add3A_624 = arith.addi %add3A_623, %mul3A_622 : i32
        %swap3A_625 = arith.index_cast %add3A_624 : i32 to index
        %swap3A_626 = arith.constant 0 : index
        %swap3A_627 = tpu.vector_load %arg10[%swap3A_625, %swap3A_626] {strides = array<i32>} : memref<128x128xf32, #tpu.memory_space<vmem>>, vector<1x16xf32>,
        %swap3A_628 = vector.shape_cast %swap3A_627 : vector<1x16xf32> to vector<16xf32>
        %swap3A_629 = vector.shape_cast %get3A_456 : vector<16xf32> to vector<1x16xf32>
        tpu.vector_store %arg10[%swap3A_625, %swap3A_626], %swap3A_629 {add = true, strides = array<i32>} : memref<128x128xf32, #tpu.memory_space<vmem>>, vector<1x16xf32>,
        %swap3A_630 = arith.index_cast %add3A_624 : i32 to index
        %swap3A_631 = arith.constant 16 : index
        %swap3A_632 = tpu.vector_load %arg10[%swap3A_630, %swap3A_631] {strides = array<i32>} : memref<128x128xf32, #tpu.memory_space<vmem>>, vector<1x16xf32>,
        %swap3A_633 = vector.shape_cast %swap3A_632 : vector<1x16xf32> to vector<16xf32>
        %swap3A_634 = vector.shape_cast %get3A_460 : vector<16xf32> to vector<1x16xf32>
        tpu.vector_store %arg10[%swap3A_630, %swap3A_631], %swap3A_634 {add = true, strides = array<i32>} : memref<128x128xf32, #tpu.memory_space<vmem>>, vector<1x16xf32>,
        %swap3A_635 = arith.index_cast %add3A_624 : i32 to index
        %swap3A_636 = arith.constant 32 : index
        %swap3A_637 = tpu.vector_load %arg10[%swap3A_635, %swap3A_636] {strides = array<i32>} : memref<128x128xf32, #tpu.memory_space<vmem>>, vector<1x16xf32>,
        %swap3A_638 = vector.shape_cast %swap3A_637 : vector<1x16xf32> to vector<16xf32>
        %swap3A_639 = vector.shape_cast %get3A_464 : vector<16xf32> to vector<1x16xf32>
        tpu.vector_store %arg10[%swap3A_635, %swap3A_636], %swap3A_639 {add = true, strides = array<i32>} : memref<128x128xf32, #tpu.memory_space<vmem>>, vector<1x16xf32>,
        %swap3A_640 = arith.index_cast %add3A_624 : i32 to index
        %swap3A_641 = arith.constant 48 : index
        %swap3A_642 = tpu.vector_load %arg10[%swap3A_640, %swap3A_641] {strides = array<i32>} : memref<128x128xf32, #tpu.memory_space<vmem>>, vector<1x16xf32>,
        %swap3A_643 = vector.shape_cast %swap3A_642 : vector<1x16xf32> to vector<16xf32>
        %swap3A_644 = vector.shape_cast %get3A_468 : vector<16xf32> to vector<1x16xf32>
        tpu.vector_store %arg10[%swap3A_640, %swap3A_641], %swap3A_644 {add = true, strides = array<i32>} : memref<128x128xf32, #tpu.memory_space<vmem>>, vector<1x16xf32>,
        %scan3A_645 = arith.constant 6 : i32
        %scan3A_646 = arith.addi %scan3A_491, %scan3A_645 : i32
        %mul3A_647 = arith.constant 1 : i32
        %mul3A_648 = arith.muli %scan3A_646, %mul3A_647 : i32
        %add3A_649 = arith.constant 0 : i32
        %add3A_650 = arith.addi %add3A_649, %mul3A_648 : i32
        %swap3A_651 = arith.index_cast %add3A_650 : i32 to index
        %swap3A_652 = arith.constant 0 : index
        %swap3A_653 = tpu.vector_load %arg10[%swap3A_651, %swap3A_652] {strides = array<i32>} : memref<128x128xf32, #tpu.memory_space<vmem>>, vector<1x16xf32>,
        %swap3A_654 = vector.shape_cast %swap3A_653 : vector<1x16xf32> to vector<16xf32>
        %swap3A_655 = vector.shape_cast %get3A_456 : vector<16xf32> to vector<1x16xf32>
        tpu.vector_store %arg10[%swap3A_651, %swap3A_652], %swap3A_655 {add = true, strides = array<i32>} : memref<128x128xf32, #tpu.memory_space<vmem>>, vector<1x16xf32>,
        %swap3A_656 = arith.index_cast %add3A_650 : i32 to index
        %swap3A_657 = arith.constant 16 : index
        %swap3A_658 = tpu.vector_load %arg10[%swap3A_656, %swap3A_657] {strides = array<i32>} : memref<128x128xf32, #tpu.memory_space<vmem>>, vector<1x16xf32>,
        %swap3A_659 = vector.shape_cast %swap3A_658 : vector<1x16xf32> to vector<16xf32>
        %swap3A_660 = vector.shape_cast %get3A_460 : vector<16xf32> to vector<1x16xf32>
        tpu.vector_store %arg10[%swap3A_656, %swap3A_657], %swap3A_660 {add = true, strides = array<i32>} : memref<128x128xf32, #tpu.memory_space<vmem>>, vector<1x16xf32>,
        %swap3A_661 = arith.index_cast %add3A_650 : i32 to index
        %swap3A_662 = arith.constant 32 : index
        %swap3A_663 = tpu.vector_load %arg10[%swap3A_661, %swap3A_662] {strides = array<i32>} : memref<128x128xf32, #tpu.memory_space<vmem>>, vector<1x16xf32>,
        %swap3A_664 = vector.shape_cast %swap3A_663 : vector<1x16xf32> to vector<16xf32>
        %swap3A_665 = vector.shape_cast %get3A_464 : vector<16xf32> to vector<1x16xf32>
        tpu.vector_store %arg10[%swap3A_661, %swap3A_662], %swap3A_665 {add = true, strides = array<i32>} : memref<128x128xf32, #tpu.memory_space<vmem>>, vector<1x16xf32>,
        %swap3A_666 = arith.index_cast %add3A_650 : i32 to index
        %swap3A_667 = arith.constant 48 : index
        %swap3A_668 = tpu.vector_load %arg10[%swap3A_666, %swap3A_667] {strides = array<i32>} : memref<128x128xf32, #tpu.memory_space<vmem>>, vector<1x16xf32>,
        %swap3A_669 = vector.shape_cast %swap3A_668 : vector<1x16xf32> to vector<16xf32>
        %swap3A_670 = vector.shape_cast %get3A_468 : vector<16xf32> to vector<1x16xf32>
        tpu.vector_store %arg10[%swap3A_666, %swap3A_667], %swap3A_670 {add = true, strides = array<i32>} : memref<128x128xf32, #tpu.memory_space<vmem>>, vector<1x16xf32>,
        %scan3A_671 = arith.constant 7 : i32
        %scan3A_672 = arith.addi %scan3A_491, %scan3A_671 : i32
        %mul3A_673 = arith.constant 1 : i32
        %mul3A_674 = arith.muli %scan3A_672, %mul3A_673 : i32
        %add3A_675 = arith.constant 0 : i32
        %add3A_676 = arith.addi %add3A_675, %mul3A_674 : i32
        %swap3A_677 = arith.index_cast %add3A_676 : i32 to index
        %swap3A_678 = arith.constant 0 : index
        %swap3A_679 = tpu.vector_load %arg10[%swap3A_677, %swap3A_678] {strides = array<i32>} : memref<128x128xf32, #tpu.memory_space<vmem>>, vector<1x16xf32>,
        %swap3A_680 = vector.shape_cast %swap3A_679 : vector<1x16xf32> to vector<16xf32>
        %swap3A_681 = vector.shape_cast %get3A_456 : vector<16xf32> to vector<1x16xf32>
        tpu.vector_store %arg10[%swap3A_677, %swap3A_678], %swap3A_681 {add = true, strides = array<i32>} : memref<128x128xf32, #tpu.memory_space<vmem>>, vector<1x16xf32>,
        %swap3A_682 = arith.index_cast %add3A_676 : i32 to index
        %swap3A_683 = arith.constant 16 : index
        %swap3A_684 = tpu.vector_load %arg10[%swap3A_682, %swap3A_683] {strides = array<i32>} : memref<128x128xf32, #tpu.memory_space<vmem>>, vector<1x16xf32>,
        %swap3A_685 = vector.shape_cast %swap3A_684 : vector<1x16xf32> to vector<16xf32>
        %swap3A_686 = vector.shape_cast %get3A_460 : vector<16xf32> to vector<1x16xf32>
        tpu.vector_store %arg10[%swap3A_682, %swap3A_683], %swap3A_686 {add = true, strides = array<i32>} : memref<128x128xf32, #tpu.memory_space<vmem>>, vector<1x16xf32>,
        %swap3A_687 = arith.index_cast %add3A_676 : i32 to index
        %swap3A_688 = arith.constant 32 : index
        %swap3A_689 = tpu.vector_load %arg10[%swap3A_687, %swap3A_688] {strides = array<i32>} : memref<128x128xf32, #tpu.memory_space<vmem>>, vector<1x16xf32>,
        %swap3A_690 = vector.shape_cast %swap3A_689 : vector<1x16xf32> to vector<16xf32>
        %swap3A_691 = vector.shape_cast %get3A_464 : vector<16xf32> to vector<1x16xf32>
        tpu.vector_store %arg10[%swap3A_687, %swap3A_688], %swap3A_691 {add = true, strides = array<i32>} : memref<128x128xf32, #tpu.memory_space<vmem>>, vector<1x16xf32>,
        %swap3A_692 = arith.index_cast %add3A_676 : i32 to index
        %swap3A_693 = arith.constant 48 : index
        %swap3A_694 = tpu.vector_load %arg10[%swap3A_692, %swap3A_693] {strides = array<i32>} : memref<128x128xf32, #tpu.memory_space<vmem>>, vector<1x16xf32>,
        %swap3A_695 = vector.shape_cast %swap3A_694 : vector<1x16xf32> to vector<16xf32>
        %swap3A_696 = vector.shape_cast %get3A_468 : vector<16xf32> to vector<1x16xf32>
        tpu.vector_store %arg10[%swap3A_692, %swap3A_693], %swap3A_696 {add = true, strides = array<i32>} : memref<128x128xf32, #tpu.memory_space<vmem>>, vector<1x16xf32>,
      }
      %scan3A_473 = arith.constant 128 : i32
      %mul3A_474 = arith.constant 128 : i32
      %mul3A_475 = arith.muli %select_n3A_452, %mul3A_474 : i32
      %dma_start3A_476 = arith.constant 0 : i32
      %dma_start3A_477 = tpu.memref_slice %arg5[%add3A_428, %mul3A_475, %dma_start3A_476] : memref<200x4096x128xf32, #tpu.memory_space<hbm>> -> memref<1x128x128xf32, #tpu.memory_space<hbm>>
      %dma_start3A_478 = tpu.memref_squeeze %dma_start3A_477 : memref<1x128x128xf32, #tpu.memory_space<hbm>> -> memref<128x128xf32, #tpu.memory_space<hbm>>
      %dma_start3A_479 = arith.constant 0 : i32
      %dma_start3A_480 = tpu.memref_slice %arg5[%add3A_428, %mul3A_475, %dma_start3A_479] : memref<200x4096x128xf32, #tpu.memory_space<hbm>> -> memref<1x128x128xf32, #tpu.memory_space<hbm>>
      %dma_start3A_481 = tpu.memref_squeeze %dma_start3A_480 : memref<1x128x128xf32, #tpu.memory_space<hbm>> -> memref<128x128xf32, #tpu.memory_space<hbm>>
      tpu.enqueue_dma source(%arg10 : memref<128x128xf32, #tpu.memory_space<vmem>>) target(%dma_start3A_481 : memref<128x128xf32, #tpu.memory_space<hbm>>) target_semaphore(%arg19 : memref<!tpu.dma_semaphore, #tpu.memory_space<semaphore_mem>>)
      %add3A_482 = arith.constant 4 : i32
      %add3A_483 = arith.addi %add3A_387, %add3A_482 : i32
      %sub3A_484 = arith.constant 1 : i32
      %sub3A_485 = arith.subi %add3A_483, %sub3A_484 : i32
      %lt3A_486 = arith.constant 200 : i32
      %lt3A_487 = arith.cmpi slt, %sub3A_485, %lt3A_486 : i32
      %convert_element_type3A_488 = arith.extui %lt3A_487 : i1 to i32
      %cond3A_489 = arith.constant 0 : i32
      %cond3A_490 = arith.cmpi ne, %convert_element_type3A_488, %cond3A_489 : i32
      scf.if %cond3A_490 {
        %ge3A = arith.constant 1 : i32
        %ge3A_491 = arith.cmpi sge, %add3A_387, %ge3A : i32
        %convert_element_type3A_492 = arith.extui %ge3A_491 : i1 to i32
        %cond3A_493 = arith.constant 0 : i32
        %cond3A_494 = arith.cmpi ne, %convert_element_type3A_492, %cond3A_493 : i32
        scf.if %cond3A_494 {
          %dma_wait3A_505 = arith.constant 0 : i32
          %dma_wait3A_506 = arith.constant 0 : i32
          %dma_wait3A_507 = arith.constant 0 : i32
          %dma_wait3A_508 = tpu.memref_slice %arg5[%dma_wait3A_505, %dma_wait3A_506, %dma_wait3A_507] : memref<200x4096x128xf32, #tpu.memory_space<hbm>> -> memref<1x128x128xf32, #tpu.memory_space<hbm>>
          %dma_wait3A_509 = tpu.memref_squeeze %dma_wait3A_508 : memref<1x128x128xf32, #tpu.memory_space<hbm>> -> memref<128x128xf32, #tpu.memory_space<hbm>>
          %dma_wait3A_510 = arith.constant 0 : i32
          %dma_wait3A_511 = arith.constant 0 : i32
          %dma_wait3A_512 = tpu.memref_slice %arg5[%dma_wait3A_505, %dma_wait3A_510, %dma_wait3A_511] : memref<200x4096x128xf32, #tpu.memory_space<hbm>> -> memref<1x128x128xf32, #tpu.memory_space<hbm>>
          %dma_wait3A_513 = tpu.memref_squeeze %dma_wait3A_512 : memref<1x128x128xf32, #tpu.memory_space<hbm>> -> memref<128x128xf32, #tpu.memory_space<hbm>>
          tpu.wait_dma2 semaphore(%arg18 : memref<!tpu.dma_semaphore, #tpu.memory_space<semaphore_mem>>) src(%arg9 : memref<128x128xf32, #tpu.memory_space<vmem>>) dst(%dma_wait3A_513 : memref<128x128xf32, #tpu.memory_space<hbm>>)
        } else {
        }
        %add3A_495 = arith.constant 4 : i32
        %add3A_496 = arith.addi %add3A_387, %add3A_495 : i32
        %sub3A_497 = arith.constant 1 : i32
        %sub3A_498 = arith.subi %add3A_496, %sub3A_497 : i32
        %dma_start3A_499 = arith.constant 0 : i32
        %dma_start3A_500 = tpu.memref_slice %arg6[%sub3A_498, %dma_start3A_499] : memref<200x128xi32, #tpu.memory_space<vmem>> -> memref<1x128xi32, #tpu.memory_space<vmem>>
        %dma_start3A_501 = tpu.memref_squeeze %dma_start3A_500 : memref<1x128xi32, #tpu.memory_space<vmem>> -> memref<128xi32, #tpu.memory_space<vmem>>
        %dma_start3A_502 = arith.constant 0 : i32
        %dma_start3A_503 = arith.constant 0 : i32
        %dma_start3A_504 = tpu.memref_slice %arg2[%dma_start3A_502, %dma_start3A_503] : memref<1000000x128xf32, #tpu.memory_space<hbm>> -> memref<1000000x128xf32, #tpu.memory_space<hbm>>
        tpu.enqueue_indirect_dma source(%dma_start3A_504 : memref<1000000x128xf32, #tpu.memory_space<hbm>>) target(%arg9 : memref<128x128xf32, #tpu.memory_space<vmem>>) offsets(%dma_start3A_501 : memref<128xi32, #tpu.memory_space<vmem>>) semaphore(%arg14 : memref<!tpu.dma_semaphore, #tpu.memory_space<semaphore_mem>>)
      } else {
      }
    }
    %scan3A_33 = arith.constant 50 : i32
    %dma_wait3A_34 = arith.constant 0 : i32
    %dma_wait3A_35 = arith.constant 0 : i32
    %dma_wait3A_36 = arith.constant 0 : i32
    %dma_wait3A_37 = tpu.memref_slice %arg5[%dma_wait3A_34, %dma_wait3A_35, %dma_wait3A_36] : memref<200x4096x128xf32, #tpu.memory_space<hbm>> -> memref<1x128x128xf32, #tpu.memory_space<hbm>>
    %dma_wait3A_38 = tpu.memref_squeeze %dma_wait3A_37 : memref<1x128x128xf32, #tpu.memory_space<hbm>> -> memref<128x128xf32, #tpu.memory_space<hbm>>
    %dma_wait3A_39 = arith.constant 0 : i32
    %dma_wait3A_40 = arith.constant 0 : i32
    %dma_wait3A_41 = tpu.memref_slice %arg5[%dma_wait3A_34, %dma_wait3A_39, %dma_wait3A_40] : memref<200x4096x128xf32, #tpu.memory_space<hbm>> -> memref<1x128x128xf32, #tpu.memory_space<hbm>>
    %dma_wait3A_42 = tpu.memref_squeeze %dma_wait3A_41 : memref<1x128x128xf32, #tpu.memory_space<hbm>> -> memref<128x128xf32, #tpu.memory_space<hbm>>
    tpu.wait_dma2 semaphore(%arg16 : memref<!tpu.dma_semaphore, #tpu.memory_space<semaphore_mem>>) src(%arg7 : memref<128x128xf32, #tpu.memory_space<vmem>>) dst(%dma_wait3A_42 : memref<128x128xf32, #tpu.memory_space<hbm>>)
    %dma_wait3A_43 = arith.constant 0 : i32
    %dma_wait3A_44 = arith.constant 0 : i32
    %dma_wait3A_45 = arith.constant 0 : i32
    %dma_wait3A_46 = tpu.memref_slice %arg5[%dma_wait3A_43, %dma_wait3A_44, %dma_wait3A_45] : memref<200x4096x128xf32, #tpu.memory_space<hbm>> -> memref<1x128x128xf32, #tpu.memory_space<hbm>>
    %dma_wait3A_47 = tpu.memref_squeeze %dma_wait3A_46 : memref<1x128x128xf32, #tpu.memory_space<hbm>> -> memref<128x128xf32, #tpu.memory_space<hbm>>
    %dma_wait3A_48 = arith.constant 0 : i32
    %dma_wait3A_49 = arith.constant 0 : i32
    %dma_wait3A_50 = tpu.memref_slice %arg5[%dma_wait3A_43, %dma_wait3A_48, %dma_wait3A_49] : memref<200x4096x128xf32, #tpu.memory_space<hbm>> -> memref<1x128x128xf32, #tpu.memory_space<hbm>>
    %dma_wait3A_51 = tpu.memref_squeeze %dma_wait3A_50 : memref<1x128x128xf32, #tpu.memory_space<hbm>> -> memref<128x128xf32, #tpu.memory_space<hbm>>
    tpu.wait_dma2 semaphore(%arg17 : memref<!tpu.dma_semaphore, #tpu.memory_space<semaphore_mem>>) src(%arg8 : memref<128x128xf32, #tpu.memory_space<vmem>>) dst(%dma_wait3A_51 : memref<128x128xf32, #tpu.memory_space<hbm>>)
    %dma_wait3A_52 = arith.constant 0 : i32
    %dma_wait3A_53 = arith.constant 0 : i32
    %dma_wait3A_54 = arith.constant 0 : i32
    %dma_wait3A_55 = tpu.memref_slice %arg5[%dma_wait3A_52, %dma_wait3A_53, %dma_wait3A_54] : memref<200x4096x128xf32, #tpu.memory_space<hbm>> -> memref<1x128x128xf32, #tpu.memory_space<hbm>>
    %dma_wait3A_56 = tpu.memref_squeeze %dma_wait3A_55 : memref<1x128x128xf32, #tpu.memory_space<hbm>> -> memref<128x128xf32, #tpu.memory_space<hbm>>
    %dma_wait3A_57 = arith.constant 0 : i32
    %dma_wait3A_58 = arith.constant 0 : i32
    %dma_wait3A_59 = tpu.memref_slice %arg5[%dma_wait3A_52, %dma_wait3A_57, %dma_wait3A_58] : memref<200x4096x128xf32, #tpu.memory_space<hbm>> -> memref<1x128x128xf32, #tpu.memory_space<hbm>>
    %dma_wait3A_60 = tpu.memref_squeeze %dma_wait3A_59 : memref<1x128x128xf32, #tpu.memory_space<hbm>> -> memref<128x128xf32, #tpu.memory_space<hbm>>
    tpu.wait_dma2 semaphore(%arg18 : memref<!tpu.dma_semaphore, #tpu.memory_space<semaphore_mem>>) src(%arg9 : memref<128x128xf32, #tpu.memory_space<vmem>>) dst(%dma_wait3A_60 : memref<128x128xf32, #tpu.memory_space<hbm>>)
    %dma_wait3A_61 = arith.constant 0 : i32
    %dma_wait3A_62 = arith.constant 0 : i32
    %dma_wait3A_63 = arith.constant 0 : i32
    %dma_wait3A_64 = tpu.memref_slice %arg5[%dma_wait3A_61, %dma_wait3A_62, %dma_wait3A_63] : memref<200x4096x128xf32, #tpu.memory_space<hbm>> -> memref<1x128x128xf32, #tpu.memory_space<hbm>>
    %dma_wait3A_65 = tpu.memref_squeeze %dma_wait3A_64 : memref<1x128x128xf32, #tpu.memory_space<hbm>> -> memref<128x128xf32, #tpu.memory_space<hbm>>
    %dma_wait3A_66 = arith.constant 0 : i32
    %dma_wait3A_67 = arith.constant 0 : i32
    %dma_wait3A_68 = tpu.memref_slice %arg5[%dma_wait3A_61, %dma_wait3A_66, %dma_wait3A_67] : memref<200x4096x128xf32, #tpu.memory_space<hbm>> -> memref<1x128x128xf32, #tpu.memory_space<hbm>>
    %dma_wait3A_69 = tpu.memref_squeeze %dma_wait3A_68 : memref<1x128x128xf32, #tpu.memory_space<hbm>> -> memref<128x128xf32, #tpu.memory_space<hbm>>
    tpu.wait_dma2 semaphore(%arg19 : memref<!tpu.dma_semaphore, #tpu.memory_space<semaphore_mem>>) src(%arg10 : memref<128x128xf32, #tpu.memory_space<vmem>>) dst(%dma_wait3A_69 : memref<128x128xf32, #tpu.memory_space<hbm>>)
    return
  }
}

</mosaic_0001>

<sc_bundles>
// kernel: kernel.3.cloned.1.call-start
scs
__scs_entry_jumppad:
0x0: {  	(pc) =	sbr.rel $0x88, $3  }
0x1: {  	(tag) =	ssettag $0x0;
	lr =	simm.s32 $0x1  }
0x2: {  	[smem:$0x3F9F] =	sst lr;
	_ =	strace $0xD0000000  }
0x3: {  	_ = 	snop  }
0x4: {  	_ = 	snop  }
0x5: {  	_ = 	snop  }
0x6: {  	_ = 	snop  }
0x7: {  	_ = 	snop  }
__scs_overlays_trampoline_lowered:
0x8: {  	[smem:$0x3FAE] =	sst s0  }
0x9: {  	[smem:$0x3FAF] =	sst s1  }
0xa: {  	[smem:$0x3FB0] =	sst s2  }
0xb: {  	[smem:$0x3FB1] =	sst s3  }
0xc: {  	[smem:$0x3FB2] =	sst s4  }
0xd: {  	[smem:$0x3FB3] =	sst s5  }
0xe: {  	[smem:$0x3FB4] =	sst s6  }
0xf: {  	[smem:$0x3FB5] =	sst s7  }
0x10: {  	[smem:$0x3FB6] =	sst s8  }
0x11: {  	[smem:$0x3FB7] =	sst s9;
	s0 =	simm.s32 @!p0 $0x0  }
0x12: {  	s1 =	sld [smem:$0x3F9D];
	s0 =	simm.s32 @p0 $0x1  }
0x13: {  	[smem:$0x3FB8] =	sst s0;
	s0 =	simm.s32 @!p1 $0x0  }
0x14: {  	s2 =	sld [smem:$0x3F9C];
	s0 =	simm.s32 @p1 $0x1  }
0x15: {  	[smem:$0x3FB9] =	sst s0;
	s0 =	simm.s32 @!p2 $0x0  }
0x16: {  	s3 =	sld [smem:$0x3FDB];
	s0 =	simm.s32 @p2 $0x1  }
0x17: {  	s4 =	simm.s32 $0x1BF5;
	[smem:$0x3FBB] =	sst s0  }
0x18: {  	s0 =	sld [smem:$0x3F9E];
	_ =	swait.ge [sflag:s4], $0x0  }
0x19: {  	s7 =	sld [smem:$0x3F9F]  }
0x1a: {  	s8 =	sadd.s32 $0xFFFFE003, lr  }
0x1b: {  	s9 =	sadd.s32 $0xFFFFFEF7, lr;
	s5 =	simm.s32 $0xFFFFFFFF;
	p2 =	slt.u32 s8, $0xFFFFF086  }
0x1c: {  	p1 =	slt.u32 s9, $0xF7A;
	s5 =	simm.s32 @!p2 $0x0  }
0x1d: {  	s5 =	simm.s32 @p1 $0x1;
	p0 =	seq.s32 s7, s2  }
0x1e: {  	s7 =	smul.u32 @!p0 $0xF7A, s2;
	p2 =	seq.s32 @!p0 s5, $0x0  }
0x1f: {  	s9 =	smul.u32 $0xF7A, s1;
	s8 =	simm.s32 @!p0 $0x1BF5;
	p2 =	por !p2, p0  }
0x20: {  	[sflag:s8] =	ssyncset.s32 @!p0 $0xFFFFF086;
	s6 =	sadd.s32 @!p0 s3, s7;
	s7 =	simm.s32 @!p0 $0x108  }
0x21: {  	s3 =	sadd.s32 s3, s9;
	s6 =	sadd.s32 @!p0 $0x88, s6;
	s7 =	simm.s32 @p2 $0x1082  }
0x22: {  	[simem:s7], [sflag:s8] =	dma.local @!p0 [hbm:s6], $0xF7A  }
0x23: {  	s9 =	sor.u32 $0xD0000000, s2;
	s6 =	simm.s32 $0x108;
	_ =	swait.ge @!p0 [sflag:s8], $0x0  }
0x24: {  	s3 =	sadd.s32 $0x88, s3;
	s6 =	simm.s32 @!p1 $0x1082;
	[sflag:s4] =	ssyncset.s32 $0xFFFFF086  }
0x25: {  	[simem:s6], [sflag:s4] =	dma.local [hbm:s3], $0xF7A  }
0x26: {  	[smem:$0x3F9F] =	sst s1;
	(tag) =	ssettag s2;
	_ =	strace s9  }
0x27: {  	s1 =	sld [smem:$0x3FAF]  }
0x28: {  	s2 =	sld [smem:$0x3FB0]  }
0x29: {  	s4 =	sld [smem:$0x3FB2]  }
0x2a: {  	p0 =	seq.s32 s5, $0x0;
	s5 =	sld [smem:$0x3FB3]  }
0x2b: {  	s6 =	sld [smem:$0x3FB4]  }
0x2c: {  	s7 =	sld [smem:$0x3FB5]  }
0x2d: {  	s3 =	simm.s32 $0x108;
	s8 =	sld [smem:$0x3FB6]  }
0x2e: {  	s3 =	simm.s32 @!p0 $0x1082;
	s9 =	sld [smem:$0x3FB7]  }
0x2f: {  	lr =	sadd.s32 s0, s3;
	s0 =	sld [smem:$0x3FAE]  }
0x30: {  	s3 =	sld [smem:$0x3FB1]  }
0x31: {  	[smem:$0x3FBA] =	sst s10  }
0x32: {  	s10 =	sld [smem:$0x3FB8];
	_ =	sdelay $0x3  }
0x33: {  	p0 =	seq.s32 s10, $0x1;
	s10 =	sld [smem:$0x3FBA];
	_ =	sdelay $0x3  }
0x34: {  	[smem:$0x3FBA] =	sst s10  }
0x35: {  	s10 =	sld [smem:$0x3FB9];
	_ =	sdelay $0x3  }
0x36: {  	p1 =	seq.s32 s10, $0x1;
	s10 =	sld [smem:$0x3FBA];
	_ =	sdelay $0x3  }
0x37: {  	[smem:$0x3FBA] =	sst s10  }
0x38: {  	s10 =	sld [smem:$0x3FBB]  }
0x39: {  	_ = 	snop;
	(pc) =	sbr.ind lr, $3  }
0x3a: {  	_ = 	snop  }
0x3b: {  	_ = 	snop  }
0x3c: {  	p2 =	seq.s32 s10, $0x1;
	s10 =	sld [smem:$0x3FBA]  }
0x3d: {  	_ =	shalt  }
0x3e: {  	_ =	shalt  }
0x3f: {  	_ =	shalt  }
0x40: {  	_ =	shalt  }
0x41: {  	_ =	shalt  }
0x42: {  	_ =	shalt  }
0x43: {  	_ =	shalt  }
0x44: {  	_ =	shalt  }
0x45: {  	_ =	shalt  }
0x46: {  	_ =	shalt  }
0x47: {  	_ =	shalt  }
0x48: {  	_ =	shalt  }
0x49: {  	_ =	shalt  }
0x4a: {  	_ =	shalt  }
0x4b: {  	_ =	shalt  }
0x4c: {  	_ =	shalt  }
0x4d: {  	_ =	shalt  }
0x4e: {  	_ =	shalt  }
0x4f: {  	_ =	shalt  }
0x50: {  	_ =	shalt  }
0x51: {  	_ =	shalt  }
0x52: {  	_ =	shalt  }
0x53: {  	_ =	shalt  }
0x54: {  	_ =	shalt  }
0x55: {  	_ =	shalt  }
0x56: {  	_ =	shalt  }
0x57: {  	_ =	shalt  }
0x58: {  	_ =	shalt  }
0x59: {  	_ =	shalt  }
0x5a: {  	_ =	shalt  }
0x5b: {  	_ =	shalt  }
0x5c: {  	_ =	shalt  }
0x5d: {  	_ =	shalt  }
0x5e: {  	_ =	shalt  }
0x5f: {  	_ =	shalt  }
0x60: {  	_ =	shalt  }
0x61: {  	_ =	shalt  }
0x62: {  	_ =	shalt  }
0x63: {  	_ =	shalt  }
0x64: {  	_ =	shalt  }
0x65: {  	_ =	shalt  }
0x66: {  	_ =	shalt  }
0x67: {  	_ =	shalt  }
0x68: {  	_ =	shalt  }
0x69: {  	_ =	shalt  }
0x6a: {  	_ =	shalt  }
0x6b: {  	_ =	shalt  }
0x6c: {  	_ =	shalt  }
0x6d: {  	_ =	shalt  }
0x6e: {  	_ =	shalt  }
0x6f: {  	_ =	shalt  }
0x70: {  	_ =	shalt  }
0x71: {  	_ =	shalt  }
0x72: {  	_ =	shalt  }
0x73: {  	_ =	shalt  }
0x74: {  	_ =	shalt  }
0x75: {  	_ =	shalt  }
0x76: {  	_ =	shalt  }
0x77: {  	_ =	shalt  }
0x78: {  	_ =	shalt  }
0x79: {  	_ =	shalt  }
0x7a: {  	_ =	shalt  }
0x7b: {  	_ =	shalt  }
0x7c: {  	_ =	shalt  }
0x7d: {  	_ =	shalt  }
0x7e: {  	_ =	shalt  }
0x7f: {  	_ =	shalt  }
0x80: {  	_ =	shalt  }
0x81: {  	_ =	shalt  }
0x82: {  	_ =	shalt  }
0x83: {  	_ =	shalt  }
0x84: {  	_ =	shalt  }
0x85: {  	_ =	shalt  }
0x86: {  	_ =	shalt  }
0x87: {  	_ =	shalt  }
.Lfunc_end0:
.L_simem_size_0:
called_computation.1_lowered:
.L_overlay_start_0:
0x88: {  	s2 =	sld [smem:$0x3FD9]  }
0x89: {  	s3 =	sld [smem:$0x3FFE];
	_ =	sdelay $0x1  }
0x8a: {  	s1 =	srdreg.scid  }
0x8b: {  	s0 =	sand.u32 $0x1, s1  }
0x8c: {  	s17 =	sshll.u32 s0, $0xA;
	s2 =	sadd.s32 s3, s2  }
0x8d: {  	s2 =	sadd.s32 s2, s17  }
0x8e: {  	[smem:$0x3FC6] =	sst s2  }
0x8f: {  	_ = 	snop  }
0x90: {  	s2 =	sld [smem:$0x3FC9]  }
0x91: {  	s18 =	sld [smem:$0x3FD0];
	(tm) =	ssettm $0x1  }
0x92: {  	s4 =	sld [smem:$0x3FFB];
	_ =	sdelay $0x3  }
0x93: {  	_ =	strace s4  }
0x94: {  	s4 =	sld [smem:$0x3FFC];
	_ =	sdelay $0x3  }
0x95: {  	_ =	strace s4  }
0x96: {  	s4 =	sld [smem:$0x3FFD];
	_ =	sdelay $0x3  }
0x97: {  	_ =	strace s4  }
0x98: {  	_ =	strace $0x8FFFFFFF  }
0x99: {  	s19 =	sld [smem:$0x3FDB];
	_ =	sdelay $0x1  }
0x9a: {  	s5 =	simm.s32 $_scs_section_size  }
0x9b: {  	s6 =	simm.s32 $_size__tile_overlayer_lowered;
	s7 =	simm.s32 $_tile_overlayer_lowered  }
0x9c: {  	s22 =	simm.s32 $0x1BFF;
	s21 =	sshll.u32 s7, $0x1;
	s4 =	sadd.s32 s5, s19  }
0x9d: {  	s8 =	simm.s32 $0x0;
	s20 =	sshll.u32 s6, $0x1;
	s6 =	sadd.s32 s21, s4  }
0x9e: {  	[timem:s8], [sflag:s22] =	dma.local [hbm:s6], s20  }
0x9f: {  	_ =	swait.ge [sflag:s22], s20  }
0xa0: {  	s5 =	ssub.s32 $0x0, s20;
	[sflag:s22] =	ssyncset.done $0x0  }
0xa1: {  	[sflag:s22] =	ssyncadd.s32 s5;
	_ =	sdelay $0x1  }
0xa2: {  	s23 =	simm.s32 $0x1B8B  }
0xa3: {  	_ =	swait.ge [sflag:s23], $0x1  }
0xa4: {  	[sflag:s23] =	ssyncset.done $0x0  }
0xa5: {  	s25 =	simm.s32 $0x1B8E;
	s24 =	sld [smem:$0x3FFE];
	[sflag:s23] =	ssyncadd.s32 $0xFFFFFFFF  }
0xa6: {  	s26 =	simm.s32 $execute0_lowered;
	[smem:$0x3FD2] =	sst s25  }
0xa7: {  	s6 =	sshll.u32 s26, $0x1;
	_ =	strace $0x80000046;
	[dreg:$0x1] =	wrdreg $0xFFFFFFFF  }
0xa8: {  	s28 =	simm.s32 $_size_execute0_lowered;
	s4 =	sadd.s32 s4, s6;
	[dreg:$0x0] =	wrdreg $0x0  }
0xa9: {  	s6 =	sshll.u32 s28, $0x1;
	[dreg:$0x2] =	wrdreg s4  }
0xaa: {  	[dreg:$0x3] =	wrdreg s6  }
0xab: {  	[dreg:$0x4] =	wrdreg $0xC0  }
0xac: {  	_ =	task [dreg:s8], $0x5FFFF  }
0xad: {  	[dreg:$0x1] =	wrdreg $0xFFFFFFFF  }
0xae: {  	[dreg:$0x0] =	wrdreg $0x60  }
0xaf: {  	[dreg:$0x2] =	wrdreg s24  }
0xb0: {  	[dreg:$0x3] =	wrdreg s2  }
0xb1: {  	[dreg:$0x4] =	wrdreg s18  }
0xb2: {  	[dreg:$0x5] =	wrdreg $0x9  }
0xb3: {  	_ =	task.clear_ibuf [dreg:s8], $0x6FFFF;
	_ =	strace $0x90000046  }
0xb4: {  	s29 =	simm.s32 $0x9;
	_ =	strace $0x80000048  }
0xb5: {  	_ =	swait.ge [sflag:s29], $0x1  }
0xb6: {  	[sflag:s29] =	ssyncadd.s32 $0xFFFFFFFF  }
0xb7: {  	_ =	strace $0x90000048  }
0xb8: {  	_ =	sfence  }
0xb9: {  	s30 =	sld [smem:$0x0];
	_ =	sdelay $0x2  }
0xba: {  	s31 =	sshll.u32 s1, $0xD;
	s1 =	sshrl.u32 s1, $0x2  }
0xbb: {  	s3 =	sand.u32 $0x4000, s31;
	s1 =	sadd.s32 s1, s30  }
0xbc: {  	s0 =	sor.u32 s3, s0;
	s1 =	sshll.u32 s1, $0x11  }
0xbd: {  	s0 =	sor.u32 s1, s0  }
0xbe: {  	s0 =	sadd.s32 $0x8F2B, s0  }
0xbf: {  	[sflag:s0] =	ssyncadd.remote.s32 $0x1  }
0xc0: {  	_ =	sfence.sel $0xFFFF  }
0xc1: {  	[dreg:$0x0] =	wrdreg $0xFFFFFFFF;
	(pc) =	sbr.abs _section_cstart, $3  }
0xc2: {  	[dreg:$0x1] =	wrdreg $0xFFFFFFFF  }
0xc3: {  	_ =	task.clear_ibuf [dreg:s8], $0x2FFFF;
	_ =	strace $0x9FFFFFFF  }
0xc4: {  	(tm) =	ssettm $0x7FFFFFFF  }
0xc5: {  	_ =	shalt  }
tec
execute0_lowered:
.L_overlay_start_1:
0x0: {  	(tag) =	ssettag $0x1  }
0x1: {  	s0 =	rddreg [dreg:$0x0]  }
0x2: {  	s1 =	rddreg [dreg:$0x1]  }
0x3: {  	s2 =	rddreg [dreg:$0x2]  }
0x4: {  	s4 =	srdreg.scid;
	s5 =	stileid.u32  }
0x5: {  	s3 =	simm.s32 $0x0;
	s9 =	simm.s32 $0x16400;
	s10 =	simm.s32 $0x9  }
0x6: {  	s11 =	simm.s32 $0x80;
	s12 =	simm.s32 $0x6400;
	s13 =	simm.s32 $0xA400  }
0x7: {  	s14 =	simm.s32 $0x100;
	s15 =	simm.s32 $0xE400;
	s16 =	simm.s32 $0x1  }
0x8: {  	s17 =	simm.s32 $0x12400;
	s18 =	simm.s32 $0x2;
	s19 =	simm.s32 $0x3  }
0x9: {  	s20 =	simm.s32 $0x4;
	s21 =	simm.s32 $0x5;
	s22 =	simm.s32 $0x6  }
0xa: {  	s23 =	simm.s32 $0x7;
	s24 =	simm.s32 $0x8;
	s25 =	simm.s32 $0x0  }
.Ltmp0:
0xb: {  	s4 =	sand.u32 $0x1, s4;
	s5 =	sshll.u32 s5, $0x1;
	(pc) =	sbr.rel .LBB2_1-.Ltmp0, $4  }
0xc: {  	[smem:$0x7FF] =	sst s3;
	s6 =	sor.u32 s4, s5;
	s7 =	ssub.s32 $0x2, s4  }
0xd: {  	_ =	strace $0x80000047;
	s8 =	smul.u32 $0xC80, s6;
	s31 =	sshrl.u32 s7, $0x1  }
0xe: {  	s4 =	sadd.s32 $0xF43000, s0;
	s5 =	sadd.s32 $0x600, s0;
	s0 =	ssub.s32 s7, s31  }
0xf: {  	s6 =	smul.u32 $0xC8, s6;
	s7 =	sadd.s32 s1, s8;
	s8 =	smax.u32 s0, $0x1  }
.LBB2_12:
0x10: {  	_ =	swait.ge [sflag:s21], $0x4000  }
0x11: {  	[sflag:s21] =	ssyncset.done $0x0  }
0x12: {  	[sflag:s21] =	ssyncadd.s32 $0xFFFFC000  }
0x13: {  	_ =	swait.ge [sflag:s22], $0x4000  }
0x14: {  	[sflag:s22] =	ssyncset.done $0x0  }
0x15: {  	s25 =	sadd.s32 $0x1, s25;
	[sflag:s22] =	ssyncadd.s32 $0xFFFFC000  }
0x16: {  	p0 =	sne.s32 s25, s8;
	_ =	swait.ge [sflag:s23], $0x4000  }
.Ltmp1:
0x17: {  	[sflag:s23] =	ssyncset.done $0x0;
	(pc) =	sbr.rel @!p0 .LBB2_13-.Ltmp1, $4  }
0x18: {  	[sflag:s23] =	ssyncadd.s32 $0xFFFFC000  }
0x19: {  	_ =	swait.ge [sflag:s24], $0x4000  }
0x1a: {  	[sflag:s24] =	ssyncset.done $0x0  }
0x1b: {  	[sflag:s24] =	ssyncadd.s32 $0xFFFFC000  }
.LBB2_1:
0x1c: {  	[tilespmem:s9], [sflag:$0x9] =	stream.linear.gather [hbm4b:s2+s3], $0x3200, $0x38;
	[tilespmem:$0x19600] =	vst v63  }
0x1d: {  	_ =	swait.ge [sflag:s10], $0x3200  }
0x1e: {  	[sflag:s10] =	ssyncset.done $0x0  }
0x1f: {  	[sflag:s10] =	ssyncadd.s32 $0xFFFFCE00  }
0x20: {  	[tilespmem:s3], [sflag:$0x9] =	stream.linear.gather [hbm4b:s7+s3], $0x6400, $0x38;
	[tilespmem:$0x19600] =	vst v63  }
0x21: {  	_ =	swait.ge [sflag:s10], $0x6400  }
0x22: {  	[sflag:s10] =	ssyncset.done $0x0  }
0x23: {  	[sflag:s10] =	ssyncadd.s32 $0xFFFF9C00  }
0x24: {  	[tilespmem:s12], [sflag:$0x1] =	stream.indirect.gather [hbm4b:s4+s11], $0x80, s3, s11, $0xb8;
	[tilespmem:$0x19600] =	vst v63  }
0x25: {  	_ = 	snop  }
0x26: {  	[tilespmem:s13], [sflag:$0x2] =	stream.indirect.gather [hbm4b:s4+s11], $0x80, s11, s11, $0xb8;
	[tilespmem:$0x19600] =	vst v63  }
0x27: {  	s26 =	simm.s32 $0x0  }
0x28: {  	[tilespmem:s15], [sflag:$0x3] =	stream.indirect.gather [hbm4b:s4+s11], $0x80, s14, s11, $0xb8;
	[tilespmem:$0x19600] =	vst v63  }
.LBB2_2:
0x29: {  	s28 =	sshll.u32 s26, $0x2  }
0x2a: {  	s30 =	sadd.s32 s6, s28  }
0x2b: {  	s0 =	sshrl.u32 s30, $0x5  }
0x2c: {  	s1 =	sand.u32 $0x4, s28;
	s0 =	sand.u32 $0x3FFFFF8, s0  }
0x2d: {  	_ =	swait.ge [sflag:s16], $0x4000;
	s29 =	sor.u32 s1, s0  }
0x2e: {  	[sflag:s16] =	ssyncset.done $0x0;
	s0 =	sshll.u32 s29, $0x8  }
0x2f: {  	[sflag:s16] =	ssyncadd.s32 $0xFFFFC000;
	s0 =	sshra.s32 s0, $0x2  }
0x30: {  	v1 =	vld [tilespmem:s0+$0x16400]  }
0x31: {  	v2 =	vld [tilespmem:s0+$0x16430]  }
0x32: {  	v3 =	vld [tilespmem:s0+$0x16420]  }
0x33: {  	v0 =	vld [tilespmem:s0+$0x16410]  }
0x34: {  	s31 =	simm.s32 $0x6400  }
0x35: {  	[tilespmem:s31+$0x0] =	vst.add.f32.msk $0xffff, v1  }
0x36: {  	[tilespmem:s31+$0x3B0] =	vst.add.f32.msk $0xffff, v2  }
0x37: {  	[tilespmem:s31+$0x3A0] =	vst.add.f32.msk $0xffff, v3  }
0x38: {  	[tilespmem:s31+$0x390] =	vst.add.f32.msk $0xffff, v0  }
0x39: {  	[tilespmem:s31+$0x380] =	vst.add.f32.msk $0xffff, v1  }
0x3a: {  	[tilespmem:s31+$0x330] =	vst.add.f32.msk $0xffff, v2  }
0x3b: {  	[tilespmem:s31+$0x320] =	vst.add.f32.msk $0xffff, v3  }
0x3c: {  	[tilespmem:s31+$0x310] =	vst.add.f32.msk $0xffff, v0  }
0x3d: {  	[tilespmem:s31+$0x300] =	vst.add.f32.msk $0xffff, v1  }
0x3e: {  	[tilespmem:s31+$0x2B0] =	vst.add.f32.msk $0xffff, v2  }
0x3f: {  	[tilespmem:s31+$0x2A0] =	vst.add.f32.msk $0xffff, v3  }
0x40: {  	[tilespmem:s31+$0x290] =	vst.add.f32.msk $0xffff, v0  }
0x41: {  	[tilespmem:s31+$0x280] =	vst.add.f32.msk $0xffff, v1  }
0x42: {  	[tilespmem:s31+$0x230] =	vst.add.f32.msk $0xffff, v2  }
0x43: {  	[tilespmem:s31+$0x220] =	vst.add.f32.msk $0xffff, v3  }
0x44: {  	[tilespmem:s31+$0x210] =	vst.add.f32.msk $0xffff, v0  }
0x45: {  	[tilespmem:s31+$0x200] =	vst.add.f32.msk $0xffff, v1  }
0x46: {  	[tilespmem:s31+$0x1B0] =	vst.add.f32.msk $0xffff, v2  }
0x47: {  	[tilespmem:s31+$0x1A0] =	vst.add.f32.msk $0xffff, v3  }
0x48: {  	[tilespmem:s31+$0x190] =	vst.add.f32.msk $0xffff, v0  }
0x49: {  	[tilespmem:s31+$0x180] =	vst.add.f32.msk $0xffff, v1  }
0x4a: {  	[tilespmem:s31+$0x130] =	vst.add.f32.msk $0xffff, v2  }
0x4b: {  	[tilespmem:s31+$0x120] =	vst.add.f32.msk $0xffff, v3  }
0x4c: {  	[tilespmem:s31+$0x110] =	vst.add.f32.msk $0xffff, v0  }
0x4d: {  	[tilespmem:s31+$0x100] =	vst.add.f32.msk $0xffff, v1  }
0x4e: {  	[tilespmem:s31+$0xB0] =	vst.add.f32.msk $0xffff, v2  }
0x4f: {  	[tilespmem:s31+$0xA0] =	vst.add.f32.msk $0xffff, v3  }
0x50: {  	[tilespmem:s31+$0x90] =	vst.add.f32.msk $0xffff, v0  }
0x51: {  	[tilespmem:s31+$0x80] =	vst.add.f32.msk $0xffff, v1  }
0x52: {  	[tilespmem:s31+$0x30] =	vst.add.f32.msk $0xffff, v2  }
0x53: {  	s0 =	simm.s32 $0x0;
	[tilespmem:s31+$0x20] =	vst.add.f32.msk $0xffff, v3  }
.LBB2_3:
0x54: {  	s0 =	sadd.s32 $0x8, s0;
	[tilespmem:s31+$0x10] =	vst.add.f32.msk $0xffff, v0;
	s31 =	sadd.s32 $0x400, s31  }
0x55: {  	[tilespmem:s31+$0x0] =	vst.add.f32.msk $0xffff, v1;
	p0 =	slt.u32 s0, $0x78  }
0x56: {  	[tilespmem:s31+$0x3B0] =	vst.add.f32.msk $0xffff, v2  }
0x57: {  	[tilespmem:s31+$0x3A0] =	vst.add.f32.msk $0xffff, v3  }
0x58: {  	[tilespmem:s31+$0x390] =	vst.add.f32.msk $0xffff, v0  }
0x59: {  	[tilespmem:s31+$0x380] =	vst.add.f32.msk $0xffff, v1  }
0x5a: {  	[tilespmem:s31+$0x330] =	vst.add.f32.msk $0xffff, v2  }
0x5b: {  	[tilespmem:s31+$0x320] =	vst.add.f32.msk $0xffff, v3  }
0x5c: {  	[tilespmem:s31+$0x310] =	vst.add.f32.msk $0xffff, v0  }
0x5d: {  	[tilespmem:s31+$0x300] =	vst.add.f32.msk $0xffff, v1  }
0x5e: {  	[tilespmem:s31+$0x2B0] =	vst.add.f32.msk $0xffff, v2  }
0x5f: {  	[tilespmem:s31+$0x2A0] =	vst.add.f32.msk $0xffff, v3  }
0x60: {  	[tilespmem:s31+$0x290] =	vst.add.f32.msk $0xffff, v0  }
0x61: {  	[tilespmem:s31+$0x280] =	vst.add.f32.msk $0xffff, v1  }
0x62: {  	[tilespmem:s31+$0x230] =	vst.add.f32.msk $0xffff, v2  }
0x63: {  	[tilespmem:s31+$0x220] =	vst.add.f32.msk $0xffff, v3  }
0x64: {  	[tilespmem:s31+$0x210] =	vst.add.f32.msk $0xffff, v0  }
0x65: {  	[tilespmem:s31+$0x200] =	vst.add.f32.msk $0xffff, v1  }
0x66: {  	[tilespmem:s31+$0x1B0] =	vst.add.f32.msk $0xffff, v2  }
0x67: {  	[tilespmem:s31+$0x1A0] =	vst.add.f32.msk $0xffff, v3  }
0x68: {  	[tilespmem:s31+$0x190] =	vst.add.f32.msk $0xffff, v0  }
0x69: {  	[tilespmem:s31+$0x180] =	vst.add.f32.msk $0xffff, v1  }
0x6a: {  	[tilespmem:s31+$0x130] =	vst.add.f32.msk $0xffff, v2  }
0x6b: {  	[tilespmem:s31+$0x120] =	vst.add.f32.msk $0xffff, v3  }
0x6c: {  	[tilespmem:s31+$0x110] =	vst.add.f32.msk $0xffff, v0  }
0x6d: {  	[tilespmem:s31+$0x100] =	vst.add.f32.msk $0xffff, v1  }
0x6e: {  	[tilespmem:s31+$0xB0] =	vst.add.f32.msk $0xffff, v2  }
.Ltmp2:
0x6f: {  	[tilespmem:s31+$0xA0] =	vst.add.f32.msk $0xffff, v3;
	(pc) =	sbr.rel @p0 .LBB2_3-.Ltmp2, $4  }
0x70: {  	[tilespmem:s31+$0x90] =	vst.add.f32.msk $0xffff, v0  }
0x71: {  	[tilespmem:s31+$0x80] =	vst.add.f32.msk $0xffff, v1  }
0x72: {  	[tilespmem:s31+$0x30] =	vst.add.f32.msk $0xffff, v2  }
0x73: {  	[tilespmem:s31+$0x20] =	vst.add.f32.msk $0xffff, v3  }
0x74: {  	s0 =	sand.u32 $0xFC, s30;
	s1 =	sand.u32 $0x1, s26  }
0x75: {  	p0 =	seq.s32 s0, $0x0;
	p1 =	seq.s32 s1, $0x1  }
0x76: {  	p0 =	por !p0, !p1  }
0x77: {  	s1 =	simm.s32 $0x1;
	p0 =	por !p0, !p0  }
0x78: {  	s0 =	sshrl.u32 s0, $0x3;
	s1 =	simm.s32 @!p0 $0x0  }
0x79: {  	s0 =	ssub.s32 s0, s1  }
0x7a: {  	s1 =	sshll.u32 s29, $0x13;
	s0 =	sshll.u32 s0, $0xE  }
0x7b: {  	s0 =	sadd.s32 s1, s0  }
0x7c: {  	s0 =	sshrl.u32 s0, $0x3  }
0x7d: {  	[tilespmem:s31+$0x10] =	vst.add.f32.msk $0xffff, v0;
	p0 =	seq.s32 s26, $0x0;
	s0 =	sadd.s32 s5, s0  }
0x7e: {  	[hbm4b:s0+s3] =	stream.linear.scatter [tilespmem:s12], [sflag:$0x5], $0x4000, $0x38;
	[tilespmem:$0x19600] =	vst v63  }
0x7f: {  	s0 =	simm.s32 @!p0 $0x8  }
0x80: {  	s29 =	sor.u32 $0x3, s28;
	_ =	swait.ge @!p0 [sflag:s0], $0x4000  }
0x81: {  	s1 =	sshll.u32 s29, $0x7;
	[sflag:s0] =	ssyncset.done @!p0 $0x0  }
0x82: {  	s1 =	sand.u32 $0x3FFFFF80, s1;
	[sflag:s0] =	ssyncadd.s32 @!p0 $0xFFFFC000;
	s0 =	sor.u32 $0x1, s28  }
0x83: {  	[tilespmem:s17], [sflag:$0x4] =	stream.indirect.gather [hbm4b:s4+s11], $0x80, s1, s11, $0xb8;
	[tilespmem:$0x19600] =	vst v63  }
0x84: {  	s30 =	sadd.s32 s6, s0  }
0x85: {  	s1 =	sshrl.u32 s30, $0x5  }
0x86: {  	s0 =	sand.u32 $0x5, s0;
	s1 =	sand.u32 $0x3FFFFF8, s1  }
0x87: {  	_ =	swait.ge [sflag:s18], $0x4000;
	s31 =	sor.u32 s0, s1  }
0x88: {  	[sflag:s18] =	ssyncset.done $0x0;
	s0 =	sshll.u32 s31, $0x8  }
0x89: {  	[sflag:s18] =	ssyncadd.s32 $0xFFFFC000;
	s0 =	sshra.s32 s0, $0x2  }
0x8a: {  	v1 =	vld [tilespmem:s0+$0x16400]  }
0x8b: {  	v2 =	vld [tilespmem:s0+$0x16430]  }
0x8c: {  	v3 =	vld [tilespmem:s0+$0x16420]  }
0x8d: {  	v0 =	vld [tilespmem:s0+$0x16410]  }
0x8e: {  	s0 =	simm.s32 $0xA400  }
0x8f: {  	[tilespmem:s0+$0x0] =	vst.add.f32.msk $0xffff, v1  }
0x90: {  	[tilespmem:s0+$0x3B0] =	vst.add.f32.msk $0xffff, v2  }
0x91: {  	[tilespmem:s0+$0x3A0] =	vst.add.f32.msk $0xffff, v3  }
0x92: {  	[tilespmem:s0+$0x390] =	vst.add.f32.msk $0xffff, v0  }
0x93: {  	[tilespmem:s0+$0x380] =	vst.add.f32.msk $0xffff, v1  }
0x94: {  	[tilespmem:s0+$0x330] =	vst.add.f32.msk $0xffff, v2  }
0x95: {  	[tilespmem:s0+$0x320] =	vst.add.f32.msk $0xffff, v3  }
0x96: {  	[tilespmem:s0+$0x310] =	vst.add.f32.msk $0xffff, v0  }
0x97: {  	[tilespmem:s0+$0x300] =	vst.add.f32.msk $0xffff, v1  }
0x98: {  	[tilespmem:s0+$0x2B0] =	vst.add.f32.msk $0xffff, v2  }
0x99: {  	[tilespmem:s0+$0x2A0] =	vst.add.f32.msk $0xffff, v3  }
0x9a: {  	[tilespmem:s0+$0x290] =	vst.add.f32.msk $0xffff, v0  }
0x9b: {  	[tilespmem:s0+$0x280] =	vst.add.f32.msk $0xffff, v1  }
0x9c: {  	[tilespmem:s0+$0x230] =	vst.add.f32.msk $0xffff, v2  }
0x9d: {  	[tilespmem:s0+$0x220] =	vst.add.f32.msk $0xffff, v3  }
0x9e: {  	[tilespmem:s0+$0x210] =	vst.add.f32.msk $0xffff, v0  }
0x9f: {  	[tilespmem:s0+$0x200] =	vst.add.f32.msk $0xffff, v1  }
0xa0: {  	[tilespmem:s0+$0x1B0] =	vst.add.f32.msk $0xffff, v2  }
0xa1: {  	[tilespmem:s0+$0x1A0] =	vst.add.f32.msk $0xffff, v3  }
0xa2: {  	[tilespmem:s0+$0x190] =	vst.add.f32.msk $0xffff, v0  }
0xa3: {  	[tilespmem:s0+$0x180] =	vst.add.f32.msk $0xffff, v1  }
0xa4: {  	[tilespmem:s0+$0x130] =	vst.add.f32.msk $0xffff, v2  }
0xa5: {  	[tilespmem:s0+$0x120] =	vst.add.f32.msk $0xffff, v3  }
0xa6: {  	[tilespmem:s0+$0x110] =	vst.add.f32.msk $0xffff, v0  }
0xa7: {  	[tilespmem:s0+$0x100] =	vst.add.f32.msk $0xffff, v1  }
0xa8: {  	[tilespmem:s0+$0xB0] =	vst.add.f32.msk $0xffff, v2  }
0xa9: {  	[tilespmem:s0+$0xA0] =	vst.add.f32.msk $0xffff, v3  }
0xaa: {  	[tilespmem:s0+$0x90] =	vst.add.f32.msk $0xffff, v0  }
0xab: {  	[tilespmem:s0+$0x80] =	vst.add.f32.msk $0xffff, v1  }
0xac: {  	[tilespmem:s0+$0x30] =	vst.add.f32.msk $0xffff, v2  }
0xad: {  	s1 =	simm.s32 $0x0;
	[tilespmem:s0+$0x20] =	vst.add.f32.msk $0xffff, v3  }
.LBB2_5:
0xae: {  	s1 =	sadd.s32 $0x8, s1;
	[tilespmem:s0+$0x10] =	vst.add.f32.msk $0xffff, v0;
	s0 =	sadd.s32 $0x400, s0  }
0xaf: {  	[tilespmem:s0+$0x0] =	vst.add.f32.msk $0xffff, v1;
	p0 =	slt.u32 s1, $0x78  }
0xb0: {  	[tilespmem:s0+$0x3B0] =	vst.add.f32.msk $0xffff, v2  }
0xb1: {  	[tilespmem:s0+$0x3A0] =	vst.add.f32.msk $0xffff, v3  }
0xb2: {  	[tilespmem:s0+$0x390] =	vst.add.f32.msk $0xffff, v0  }
0xb3: {  	[tilespmem:s0+$0x380] =	vst.add.f32.msk $0xffff, v1  }
0xb4: {  	[tilespmem:s0+$0x330] =	vst.add.f32.msk $0xffff, v2  }
0xb5: {  	[tilespmem:s0+$0x320] =	vst.add.f32.msk $0xffff, v3  }
0xb6: {  	[tilespmem:s0+$0x310] =	vst.add.f32.msk $0xffff, v0  }
0xb7: {  	[tilespmem:s0+$0x300] =	vst.add.f32.msk $0xffff, v1  }
0xb8: {  	[tilespmem:s0+$0x2B0] =	vst.add.f32.msk $0xffff, v2  }
0xb9: {  	[tilespmem:s0+$0x2A0] =	vst.add.f32.msk $0xffff, v3  }
0xba: {  	[tilespmem:s0+$0x290] =	vst.add.f32.msk $0xffff, v0  }
0xbb: {  	[tilespmem:s0+$0x280] =	vst.add.f32.msk $0xffff, v1  }
0xbc: {  	[tilespmem:s0+$0x230] =	vst.add.f32.msk $0xffff, v2  }
0xbd: {  	[tilespmem:s0+$0x220] =	vst.add.f32.msk $0xffff, v3  }
0xbe: {  	[tilespmem:s0+$0x210] =	vst.add.f32.msk $0xffff, v0  }
0xbf: {  	[tilespmem:s0+$0x200] =	vst.add.f32.msk $0xffff, v1  }
0xc0: {  	[tilespmem:s0+$0x1B0] =	vst.add.f32.msk $0xffff, v2  }
0xc1: {  	[tilespmem:s0+$0x1A0] =	vst.add.f32.msk $0xffff, v3  }
0xc2: {  	[tilespmem:s0+$0x190] =	vst.add.f32.msk $0xffff, v0  }
0xc3: {  	[tilespmem:s0+$0x180] =	vst.add.f32.msk $0xffff, v1  }
0xc4: {  	[tilespmem:s0+$0x130] =	vst.add.f32.msk $0xffff, v2  }
0xc5: {  	[tilespmem:s0+$0x120] =	vst.add.f32.msk $0xffff, v3  }
0xc6: {  	[tilespmem:s0+$0x110] =	vst.add.f32.msk $0xffff, v0  }
0xc7: {  	[tilespmem:s0+$0x100] =	vst.add.f32.msk $0xffff, v1  }
0xc8: {  	[tilespmem:s0+$0xB0] =	vst.add.f32.msk $0xffff, v2  }
.Ltmp3:
0xc9: {  	[tilespmem:s0+$0xA0] =	vst.add.f32.msk $0xffff, v3;
	(pc) =	sbr.rel @p0 .LBB2_5-.Ltmp3, $4  }
0xca: {  	[tilespmem:s0+$0x90] =	vst.add.f32.msk $0xffff, v0  }
0xcb: {  	[tilespmem:s0+$0x80] =	vst.add.f32.msk $0xffff, v1  }
0xcc: {  	[tilespmem:s0+$0x30] =	vst.add.f32.msk $0xffff, v2  }
0xcd: {  	[tilespmem:s0+$0x20] =	vst.add.f32.msk $0xffff, v3  }
0xce: {  	s1 =	sshll.u32 s30, $0xB  }
0xcf: {  	s30 =	sshll.u32 s31, $0x13;
	s1 =	sand.u32 $0x7C000, s1  }
0xd0: {  	s1 =	sor.u32 s1, s30  }
0xd1: {  	p0 =	seq.s32 s26, $0x31;
	s1 =	sshrl.u32 s1, $0x3  }
0xd2: {  	[tilespmem:s0+$0x10] =	vst.add.f32.msk $0xffff, v0;
	s0 =	simm.s32 @!p0 $0x5;
	s1 =	sadd.s32 s5, s1  }
0xd3: {  	[hbm4b:s1+s3] =	stream.linear.scatter [tilespmem:s13], [sflag:$0x6], $0x4000, $0x38;
	[tilespmem:$0x19600] =	vst v63  }
0xd4: {  	s1 =	sshll.u32 @!p0 s26, $0x9;
	_ =	swait.ge @!p0 [sflag:s0], $0x4000  }
0xd5: {  	s31 =	simm.s32 @!p0 $0x6400;
	s30 =	sand.u32 @!p0 $0x3FFFFE00, s1;
	[sflag:s0] =	ssyncset.done @!p0 $0x0  }
0xd6: {  	s1 =	simm.s32 @!p0 $0x80;
	[sflag:s0] =	ssyncadd.s32 @!p0 $0xFFFFC000;
	s0 =	sadd.s32 @!p0 $0x200, s30  }
0xd7: {  	[tilespmem:s31], [sflag:$0x1] =	stream.indirect.gather @!p0 [hbm4b:s4+s1], $0x80, s0, s1, $0xb8;
	[tilespmem:$0x19600] =	vst v63  }
0xd8: {  	s0 =	sor.u32 $0x2, s28  }
0xd9: {  	s28 =	sadd.s32 s6, s0  }
0xda: {  	s1 =	sshrl.u32 s28, $0x5  }
0xdb: {  	s0 =	sand.u32 $0x6, s0;
	s1 =	sand.u32 $0x3FFFFF8, s1  }
0xdc: {  	_ =	swait.ge [sflag:s19], $0x4000;
	s31 =	sor.u32 s0, s1  }
0xdd: {  	[sflag:s19] =	ssyncset.done $0x0;
	s0 =	sshll.u32 s31, $0x8  }
0xde: {  	[sflag:s19] =	ssyncadd.s32 $0xFFFFC000;
	s0 =	sshra.s32 s0, $0x2  }
0xdf: {  	v1 =	vld [tilespmem:s0+$0x16400]  }
0xe0: {  	v2 =	vld [tilespmem:s0+$0x16430]  }
0xe1: {  	v3 =	vld [tilespmem:s0+$0x16420]  }
0xe2: {  	v0 =	vld [tilespmem:s0+$0x16410]  }
0xe3: {  	s0 =	simm.s32 $0xE400  }
0xe4: {  	[tilespmem:s0+$0x0] =	vst.add.f32.msk $0xffff, v1  }
0xe5: {  	[tilespmem:s0+$0x3B0] =	vst.add.f32.msk $0xffff, v2  }
0xe6: {  	[tilespmem:s0+$0x3A0] =	vst.add.f32.msk $0xffff, v3  }
0xe7: {  	[tilespmem:s0+$0x390] =	vst.add.f32.msk $0xffff, v0  }
0xe8: {  	[tilespmem:s0+$0x380] =	vst.add.f32.msk $0xffff, v1  }
0xe9: {  	[tilespmem:s0+$0x330] =	vst.add.f32.msk $0xffff, v2  }
0xea: {  	[tilespmem:s0+$0x320] =	vst.add.f32.msk $0xffff, v3  }
0xeb: {  	[tilespmem:s0+$0x310] =	vst.add.f32.msk $0xffff, v0  }
0xec: {  	[tilespmem:s0+$0x300] =	vst.add.f32.msk $0xffff, v1  }
0xed: {  	[tilespmem:s0+$0x2B0] =	vst.add.f32.msk $0xffff, v2  }
0xee: {  	[tilespmem:s0+$0x2A0] =	vst.add.f32.msk $0xffff, v3  }
0xef: {  	[tilespmem:s0+$0x290] =	vst.add.f32.msk $0xffff, v0  }
0xf0: {  	[tilespmem:s0+$0x280] =	vst.add.f32.msk $0xffff, v1  }
0xf1: {  	[tilespmem:s0+$0x230] =	vst.add.f32.msk $0xffff, v2  }
0xf2: {  	[tilespmem:s0+$0x220] =	vst.add.f32.msk $0xffff, v3  }
0xf3: {  	[tilespmem:s0+$0x210] =	vst.add.f32.msk $0xffff, v0  }
0xf4: {  	[tilespmem:s0+$0x200] =	vst.add.f32.msk $0xffff, v1  }
0xf5: {  	[tilespmem:s0+$0x1B0] =	vst.add.f32.msk $0xffff, v2  }
0xf6: {  	[tilespmem:s0+$0x1A0] =	vst.add.f32.msk $0xffff, v3  }
0xf7: {  	[tilespmem:s0+$0x190] =	vst.add.f32.msk $0xffff, v0  }
0xf8: {  	[tilespmem:s0+$0x180] =	vst.add.f32.msk $0xffff, v1  }
0xf9: {  	[tilespmem:s0+$0x130] =	vst.add.f32.msk $0xffff, v2  }
0xfa: {  	[tilespmem:s0+$0x120] =	vst.add.f32.msk $0xffff, v3  }
0xfb: {  	[tilespmem:s0+$0x110] =	vst.add.f32.msk $0xffff, v0  }
0xfc: {  	[tilespmem:s0+$0x100] =	vst.add.f32.msk $0xffff, v1  }
0xfd: {  	[tilespmem:s0+$0xB0] =	vst.add.f32.msk $0xffff, v2  }
0xfe: {  	[tilespmem:s0+$0xA0] =	vst.add.f32.msk $0xffff, v3  }
0xff: {  	[tilespmem:s0+$0x90] =	vst.add.f32.msk $0xffff, v0  }
0x100: {  	[tilespmem:s0+$0x80] =	vst.add.f32.msk $0xffff, v1  }
0x101: {  	[tilespmem:s0+$0x30] =	vst.add.f32.msk $0xffff, v2  }
0x102: {  	s1 =	simm.s32 $0x0;
	[tilespmem:s0+$0x20] =	vst.add.f32.msk $0xffff, v3  }
.LBB2_7:
0x103: {  	s1 =	sadd.s32 $0x8, s1;
	[tilespmem:s0+$0x10] =	vst.add.f32.msk $0xffff, v0;
	s0 =	sadd.s32 $0x400, s0  }
0x104: {  	[tilespmem:s0+$0x0] =	vst.add.f32.msk $0xffff, v1;
	p1 =	slt.u32 s1, $0x78  }
0x105: {  	[tilespmem:s0+$0x3B0] =	vst.add.f32.msk $0xffff, v2  }
0x106: {  	[tilespmem:s0+$0x3A0] =	vst.add.f32.msk $0xffff, v3  }
0x107: {  	[tilespmem:s0+$0x390] =	vst.add.f32.msk $0xffff, v0  }
0x108: {  	[tilespmem:s0+$0x380] =	vst.add.f32.msk $0xffff, v1  }
0x109: {  	[tilespmem:s0+$0x330] =	vst.add.f32.msk $0xffff, v2  }
0x10a: {  	[tilespmem:s0+$0x320] =	vst.add.f32.msk $0xffff, v3  }
0x10b: {  	[tilespmem:s0+$0x310] =	vst.add.f32.msk $0xffff, v0  }
0x10c: {  	[tilespmem:s0+$0x300] =	vst.add.f32.msk $0xffff, v1  }
0x10d: {  	[tilespmem:s0+$0x2B0] =	vst.add.f32.msk $0xffff, v2  }
0x10e: {  	[tilespmem:s0+$0x2A0] =	vst.add.f32.msk $0xffff, v3  }
0x10f: {  	[tilespmem:s0+$0x290] =	vst.add.f32.msk $0xffff, v0  }
0x110: {  	[tilespmem:s0+$0x280] =	vst.add.f32.msk $0xffff, v1  }
0x111: {  	[tilespmem:s0+$0x230] =	vst.add.f32.msk $0xffff, v2  }
0x112: {  	[tilespmem:s0+$0x220] =	vst.add.f32.msk $0xffff, v3  }
0x113: {  	[tilespmem:s0+$0x210] =	vst.add.f32.msk $0xffff, v0  }
0x114: {  	[tilespmem:s0+$0x200] =	vst.add.f32.msk $0xffff, v1  }
0x115: {  	[tilespmem:s0+$0x1B0] =	vst.add.f32.msk $0xffff, v2  }
0x116: {  	[tilespmem:s0+$0x1A0] =	vst.add.f32.msk $0xffff, v3  }
0x117: {  	[tilespmem:s0+$0x190] =	vst.add.f32.msk $0xffff, v0  }
0x118: {  	[tilespmem:s0+$0x180] =	vst.add.f32.msk $0xffff, v1  }
0x119: {  	[tilespmem:s0+$0x130] =	vst.add.f32.msk $0xffff, v2  }
0x11a: {  	[tilespmem:s0+$0x120] =	vst.add.f32.msk $0xffff, v3  }
0x11b: {  	[tilespmem:s0+$0x110] =	vst.add.f32.msk $0xffff, v0  }
0x11c: {  	[tilespmem:s0+$0x100] =	vst.add.f32.msk $0xffff, v1  }
0x11d: {  	[tilespmem:s0+$0xB0] =	vst.add.f32.msk $0xffff, v2  }
.Ltmp4:
0x11e: {  	[tilespmem:s0+$0xA0] =	vst.add.f32.msk $0xffff, v3;
	(pc) =	sbr.rel @p1 .LBB2_7-.Ltmp4, $4  }
0x11f: {  	[tilespmem:s0+$0x90] =	vst.add.f32.msk $0xffff, v0  }
0x120: {  	[tilespmem:s0+$0x80] =	vst.add.f32.msk $0xffff, v1  }
0x121: {  	[tilespmem:s0+$0x30] =	vst.add.f32.msk $0xffff, v2  }
0x122: {  	[tilespmem:s0+$0x20] =	vst.add.f32.msk $0xffff, v3  }
0x123: {  	s1 =	sshll.u32 s28, $0xB  }
0x124: {  	s28 =	sshll.u32 s31, $0x13;
	s1 =	sand.u32 $0x7C000, s1  }
0x125: {  	s1 =	sor.u32 s1, s28  }
0x126: {  	s1 =	sshrl.u32 s1, $0x3  }
0x127: {  	[tilespmem:s0+$0x10] =	vst.add.f32.msk $0xffff, v0;
	s0 =	simm.s32 @!p0 $0x6;
	s1 =	sadd.s32 s5, s1  }
0x128: {  	[hbm4b:s1+s3] =	stream.linear.scatter [tilespmem:s15], [sflag:$0x7], $0x4000, $0x38;
	[tilespmem:$0x19600] =	vst v63  }
0x129: {  	_ =	swait.ge @!p0 [sflag:s0], $0x4000  }
0x12a: {  	s28 =	simm.s32 @!p0 $0xA400;
	[sflag:s0] =	ssyncset.done @!p0 $0x0  }
0x12b: {  	s1 =	simm.s32 @!p0 $0x80;
	[sflag:s0] =	ssyncadd.s32 @!p0 $0xFFFFC000;
	s0 =	sadd.s32 @!p0 $0x280, s30  }
0x12c: {  	[tilespmem:s28], [sflag:$0x2] =	stream.indirect.gather @!p0 [hbm4b:s4+s1], $0x80, s0, s1, $0xb8;
	[tilespmem:$0x19600] =	vst v63  }
0x12d: {  	s28 =	sadd.s32 s6, s29  }
0x12e: {  	s30 =	sshrl.u32 s28, $0x5  }
0x12f: {  	s31 =	sand.u32 $0x7, s29;
	s0 =	sand.u32 $0x3FFFFF8, s30  }
0x130: {  	_ =	swait.ge [sflag:s20], $0x4000;
	s29 =	sor.u32 s31, s0  }
0x131: {  	[sflag:s20] =	ssyncset.done $0x0;
	s0 =	sshll.u32 s29, $0x8  }
0x132: {  	[sflag:s20] =	ssyncadd.s32 $0xFFFFC000;
	s0 =	sshra.s32 s0, $0x2  }
0x133: {  	v1 =	vld [tilespmem:s0+$0x16400]  }
0x134: {  	v2 =	vld [tilespmem:s0+$0x16430]  }
0x135: {  	v3 =	vld [tilespmem:s0+$0x16420]  }
0x136: {  	v0 =	vld [tilespmem:s0+$0x16410]  }
0x137: {  	s0 =	simm.s32 $0x12400  }
0x138: {  	[tilespmem:s0+$0x0] =	vst.add.f32.msk $0xffff, v1  }
0x139: {  	[tilespmem:s0+$0x3B0] =	vst.add.f32.msk $0xffff, v2  }
0x13a: {  	[tilespmem:s0+$0x3A0] =	vst.add.f32.msk $0xffff, v3  }
0x13b: {  	[tilespmem:s0+$0x390] =	vst.add.f32.msk $0xffff, v0  }
0x13c: {  	[tilespmem:s0+$0x380] =	vst.add.f32.msk $0xffff, v1  }
0x13d: {  	[tilespmem:s0+$0x330] =	vst.add.f32.msk $0xffff, v2  }
0x13e: {  	[tilespmem:s0+$0x320] =	vst.add.f32.msk $0xffff, v3  }
0x13f: {  	[tilespmem:s0+$0x310] =	vst.add.f32.msk $0xffff, v0  }
0x140: {  	[tilespmem:s0+$0x300] =	vst.add.f32.msk $0xffff, v1  }
0x141: {  	[tilespmem:s0+$0x2B0] =	vst.add.f32.msk $0xffff, v2  }
0x142: {  	[tilespmem:s0+$0x2A0] =	vst.add.f32.msk $0xffff, v3  }
0x143: {  	[tilespmem:s0+$0x290] =	vst.add.f32.msk $0xffff, v0  }
0x144: {  	[tilespmem:s0+$0x280] =	vst.add.f32.msk $0xffff, v1  }
0x145: {  	[tilespmem:s0+$0x230] =	vst.add.f32.msk $0xffff, v2  }
0x146: {  	[tilespmem:s0+$0x220] =	vst.add.f32.msk $0xffff, v3  }
0x147: {  	[tilespmem:s0+$0x210] =	vst.add.f32.msk $0xffff, v0  }
0x148: {  	[tilespmem:s0+$0x200] =	vst.add.f32.msk $0xffff, v1  }
0x149: {  	[tilespmem:s0+$0x1B0] =	vst.add.f32.msk $0xffff, v2  }
0x14a: {  	[tilespmem:s0+$0x1A0] =	vst.add.f32.msk $0xffff, v3  }
0x14b: {  	[tilespmem:s0+$0x190] =	vst.add.f32.msk $0xffff, v0  }
0x14c: {  	[tilespmem:s0+$0x180] =	vst.add.f32.msk $0xffff, v1  }
0x14d: {  	[tilespmem:s0+$0x130] =	vst.add.f32.msk $0xffff, v2  }
0x14e: {  	[tilespmem:s0+$0x120] =	vst.add.f32.msk $0xffff, v3  }
0x14f: {  	[tilespmem:s0+$0x110] =	vst.add.f32.msk $0xffff, v0  }
0x150: {  	[tilespmem:s0+$0x100] =	vst.add.f32.msk $0xffff, v1  }
0x151: {  	[tilespmem:s0+$0xB0] =	vst.add.f32.msk $0xffff, v2  }
0x152: {  	[tilespmem:s0+$0xA0] =	vst.add.f32.msk $0xffff, v3  }
0x153: {  	[tilespmem:s0+$0x90] =	vst.add.f32.msk $0xffff, v0  }
0x154: {  	[tilespmem:s0+$0x80] =	vst.add.f32.msk $0xffff, v1  }
0x155: {  	[tilespmem:s0+$0x30] =	vst.add.f32.msk $0xffff, v2  }
0x156: {  	s1 =	simm.s32 $0x0;
	[tilespmem:s0+$0x20] =	vst.add.f32.msk $0xffff, v3  }
.LBB2_9:
0x157: {  	s1 =	sadd.s32 $0x8, s1;
	[tilespmem:s0+$0x10] =	vst.add.f32.msk $0xffff, v0;
	s0 =	sadd.s32 $0x400, s0  }
0x158: {  	[tilespmem:s0+$0x0] =	vst.add.f32.msk $0xffff, v1;
	p1 =	slt.u32 s1, $0x78  }
0x159: {  	[tilespmem:s0+$0x3B0] =	vst.add.f32.msk $0xffff, v2  }
0x15a: {  	[tilespmem:s0+$0x3A0] =	vst.add.f32.msk $0xffff, v3  }
0x15b: {  	[tilespmem:s0+$0x390] =	vst.add.f32.msk $0xffff, v0  }
0x15c: {  	[tilespmem:s0+$0x380] =	vst.add.f32.msk $0xffff, v1  }
0x15d: {  	[tilespmem:s0+$0x330] =	vst.add.f32.msk $0xffff, v2  }
0x15e: {  	[tilespmem:s0+$0x320] =	vst.add.f32.msk $0xffff, v3  }
0x15f: {  	[tilespmem:s0+$0x310] =	vst.add.f32.msk $0xffff, v0  }
0x160: {  	[tilespmem:s0+$0x300] =	vst.add.f32.msk $0xffff, v1  }
0x161: {  	[tilespmem:s0+$0x2B0] =	vst.add.f32.msk $0xffff, v2  }
0x162: {  	[tilespmem:s0+$0x2A0] =	vst.add.f32.msk $0xffff, v3  }
0x163: {  	[tilespmem:s0+$0x290] =	vst.add.f32.msk $0xffff, v0  }
0x164: {  	[tilespmem:s0+$0x280] =	vst.add.f32.msk $0xffff, v1  }
0x165: {  	[tilespmem:s0+$0x230] =	vst.add.f32.msk $0xffff, v2  }
0x166: {  	[tilespmem:s0+$0x220] =	vst.add.f32.msk $0xffff, v3  }
0x167: {  	[tilespmem:s0+$0x210] =	vst.add.f32.msk $0xffff, v0  }
0x168: {  	[tilespmem:s0+$0x200] =	vst.add.f32.msk $0xffff, v1  }
0x169: {  	[tilespmem:s0+$0x1B0] =	vst.add.f32.msk $0xffff, v2  }
0x16a: {  	[tilespmem:s0+$0x1A0] =	vst.add.f32.msk $0xffff, v3  }
0x16b: {  	[tilespmem:s0+$0x190] =	vst.add.f32.msk $0xffff, v0  }
0x16c: {  	[tilespmem:s0+$0x180] =	vst.add.f32.msk $0xffff, v1  }
0x16d: {  	[tilespmem:s0+$0x130] =	vst.add.f32.msk $0xffff, v2  }
0x16e: {  	[tilespmem:s0+$0x120] =	vst.add.f32.msk $0xffff, v3  }
0x16f: {  	[tilespmem:s0+$0x110] =	vst.add.f32.msk $0xffff, v0  }
0x170: {  	[tilespmem:s0+$0x100] =	vst.add.f32.msk $0xffff, v1  }
0x171: {  	[tilespmem:s0+$0xB0] =	vst.add.f32.msk $0xffff, v2  }
.Ltmp5:
0x172: {  	[tilespmem:s0+$0xA0] =	vst.add.f32.msk $0xffff, v3;
	(pc) =	sbr.rel @p1 .LBB2_9-.Ltmp5, $4  }
0x173: {  	[tilespmem:s0+$0x90] =	vst.add.f32.msk $0xffff, v0  }
0x174: {  	[tilespmem:s0+$0x80] =	vst.add.f32.msk $0xffff, v1  }
0x175: {  	[tilespmem:s0+$0x30] =	vst.add.f32.msk $0xffff, v2  }
0x176: {  	[tilespmem:s0+$0x20] =	vst.add.f32.msk $0xffff, v3  }
0x177: {  	s1 =	sshll.u32 s28, $0xB  }
.Ltmp6:
0x178: {  	s30 =	sshll.u32 s29, $0x13;
	s1 =	sand.u32 $0x7C000, s1;
	(pc) =	sbr.rel @p0 .LBB2_12-.Ltmp6, $4  }
0x179: {  	s1 =	sor.u32 s1, s30  }
0x17a: {  	s1 =	sshrl.u32 s1, $0x3  }
0x17b: {  	[tilespmem:s0+$0x10] =	vst.add.f32.msk $0xffff, v0;
	s31 =	sadd.s32 s5, s1  }
0x17c: {  	[hbm4b:s31+s3] =	stream.linear.scatter [tilespmem:s17], [sflag:$0x8], $0x4000, $0x38;
	[tilespmem:$0x19600] =	vst v63  }
.Ltmp7:
0x17d: {  	(pc) =	sbr.rel .LBB2_2-.Ltmp7, $4  }
0x17e: {  	_ =	swait.ge [sflag:s23], $0x4000;
	s0 =	sshll.u32 s26, $0x9  }
0x17f: {  	[sflag:s23] =	ssyncset.done $0x0;
	s0 =	sand.u32 $0x3FFFFE00, s0  }
0x180: {  	s26 =	sadd.s32 $0x1, s26;
	[sflag:s23] =	ssyncadd.s32 $0xFFFFC000;
	s0 =	sadd.s32 $0x300, s0  }
0x181: {  	[tilespmem:s15], [sflag:$0x3] =	stream.indirect.gather [hbm4b:s4+s11], $0x80, s0, s11, $0xb8;
	[tilespmem:$0x19600] =	vst v63  }
.LBB2_13:
0x182: {  	_ =	sfence.sel $0x180000  }
0x183: {  	[bflag:$0x0] =	sbarrier.arrive $0xFFFF  }
0x184: {  	_ =	strace $0x90000047  }
0x185: {  	s0 =	stileid.u32;
	[bflag:$0x2] =	sbarrier.arrive $0xFFFF  }
0x186: {  	p0 =	sne.s32 s0, $0x0;
	s0 =	rddreg [dreg:$0x3]  }
0x187: {  	s0 =	sadd.s32 @!p0 $0x100000, s0  }
0x188: {  	[sflag:s0] =	ssyncadd.tile.s32 @!p0 $0x1;
	_ =	shalt  }
.Lfunc_end2:
_tile_overlayer_lowered:
.L_overlay_start_2:
0x189: {  	(tag) =	ssettag $0x2  }
0x18a: {  	s0 =	rddreg [dreg:$0x0];
	s2 =	stileid.u32  }
0x18b: {  	s1 =	rddreg [dreg:$0x1];
	p0 =	sne.s32 s2, $0x0  }
0x18c: {  	s3 =	rddreg [dreg:$0x2];
	[bflag:$0x3] =	sbarrier.arrive $0xFFFF;
	s2 =	simm.s32 @!p0 $0x1C0A  }
0x18d: {  	[timem:s3], [sflag:s2] =	dma.local @!p0 [hbm:s0], s1  }
0x18e: {  	s0 =	simm.s32 @!p0 $0xA  }
0x18f: {  	_ =	swait.ge @!p0 [sflag:s0], s1  }
0x190: {  	s1 =	ssub.s32 @!p0 $0x0, s1;
	[sflag:s0] =	ssyncset.done @!p0 $0x0  }
0x191: {  	[sflag:s0] =	ssyncadd.s32 @!p0 s1  }
0x192: {  	[bflag:$0x3] =	sbarrier.arrive $0xFFFF  }
0x193: {  	_ =	shalt  }

// kernel: sparse-core-data-format-call.cloned.1.call-start
scs
called_computation_lowered:
.L_overlay_start_0:
0x0: {  	s2 =	sld [smem:$0x3FD9]  }
0x1: {  	s3 =	sld [smem:$0x3FFE];
	_ =	sdelay $0x1  }
0x2: {  	s1 =	srdreg.scid  }
0x3: {  	s0 =	sand.u32 $0x1, s1  }
0x4: {  	s18 =	sshll.u32 s0, $0xA;
	s2 =	sadd.s32 s3, s2  }
0x5: {  	s2 =	sadd.s32 s2, s18  }
0x6: {  	[smem:$0x3FC6] =	sst s2  }
0x7: {  	_ = 	snop  }
0x8: {  	s2 =	sld [smem:$0x3FD0];
	(tm) =	ssettm $0x1  }
0x9: {  	s19 =	sld [smem:$0x3FFB];
	_ =	sdelay $0x3  }
0xa: {  	_ =	strace s19  }
0xb: {  	s3 =	sld [smem:$0x3FFC];
	_ =	sdelay $0x3  }
0xc: {  	_ =	strace s3  }
0xd: {  	s3 =	sld [smem:$0x3FFD];
	_ =	sdelay $0x3  }
0xe: {  	_ =	strace s3  }
0xf: {  	_ =	strace $0x8FFFFFFF  }
0x10: {  	s20 =	sld [smem:$0x3FDB];
	_ =	sdelay $0x1  }
0x11: {  	s4 =	simm.s32 $_scs_section_size  }
0x12: {  	s5 =	simm.s32 $_size__tile_overlayer_lowered;
	s6 =	simm.s32 $_tile_overlayer_lowered  }
0x13: {  	s23 =	simm.s32 $0x1BFF;
	s22 =	sshll.u32 s6, $0x1;
	s3 =	sadd.s32 s4, s20  }
0x14: {  	s7 =	simm.s32 $0x0;
	s21 =	sshll.u32 s5, $0x1;
	s5 =	sadd.s32 s22, s3  }
0x15: {  	[timem:s7], [sflag:s23] =	dma.local [hbm:s5], s21  }
0x16: {  	_ =	swait.ge [sflag:s23], s21  }
0x17: {  	s4 =	ssub.s32 $0x0, s21;
	[sflag:s23] =	ssyncset.done $0x0  }
0x18: {  	[sflag:s23] =	ssyncadd.s32 s4;
	_ =	sdelay $0x1  }
0x19: {  	s24 =	simm.s32 $0x1B8B  }
0x1a: {  	_ =	swait.ge [sflag:s24], $0x1  }
0x1b: {  	[sflag:s24] =	ssyncset.done $0x0  }
0x1c: {  	s26 =	simm.s32 $0x1B8E;
	s25 =	sld [smem:$0x3FFE];
	[sflag:s24] =	ssyncadd.s32 $0xFFFFFFFF  }
0x1d: {  	s27 =	simm.s32 $execute0_lowered;
	[smem:$0x3FD2] =	sst s26  }
0x1e: {  	s5 =	sshll.u32 s27, $0x1;
	_ =	strace $0x80000049;
	[dreg:$0x1] =	wrdreg $0xFFFFFFFF  }
0x1f: {  	s28 =	simm.s32 $_size_execute0_lowered;
	s3 =	sadd.s32 s3, s5;
	[dreg:$0x0] =	wrdreg $0x0  }
0x20: {  	s5 =	sshll.u32 s28, $0x1;
	[dreg:$0x2] =	wrdreg s3  }
0x21: {  	[dreg:$0x3] =	wrdreg s5  }
0x22: {  	[dreg:$0x4] =	wrdreg $0xC0  }
0x23: {  	_ =	task [dreg:s7], $0x5FFFF  }
0x24: {  	[dreg:$0x1] =	wrdreg $0xFFFFFFFF  }
0x25: {  	[dreg:$0x0] =	wrdreg $0x60  }
0x26: {  	[dreg:$0x2] =	wrdreg s25  }
0x27: {  	[dreg:$0x3] =	wrdreg s2  }
0x28: {  	[dreg:$0x4] =	wrdreg $0x9  }
0x29: {  	_ =	task.clear_ibuf [dreg:s7], $0x5FFFF;
	_ =	strace $0x90000049  }
0x2a: {  	s29 =	simm.s32 $0x9;
	_ =	strace $0x8000004B  }
0x2b: {  	_ =	swait.ge [sflag:s29], $0x1  }
0x2c: {  	[sflag:s29] =	ssyncadd.s32 $0xFFFFFFFF  }
0x2d: {  	_ =	strace $0x9000004B  }
0x2e: {  	_ =	sfence  }
0x2f: {  	s30 =	sld [smem:$0x0];
	_ =	sdelay $0x2  }
0x30: {  	s31 =	sshll.u32 s1, $0xD;
	s1 =	sshrl.u32 s1, $0x2  }
0x31: {  	s3 =	sand.u32 $0x4000, s31;
	s1 =	sadd.s32 s1, s30  }
0x32: {  	s0 =	sor.u32 s3, s0;
	s1 =	sshll.u32 s1, $0x11  }
0x33: {  	s0 =	sor.u32 s1, s0  }
0x34: {  	s0 =	sadd.s32 $0x8F2B, s0  }
0x35: {  	[sflag:s0] =	ssyncadd.remote.s32 $0x1  }
0x36: {  	_ =	sfence.sel $0xFFFF  }
0x37: {  	[dreg:$0x0] =	wrdreg $0xFFFFFFFF;
	(pc) =	sbr.abs _section_cstart, $3  }
0x38: {  	[dreg:$0x1] =	wrdreg $0xFFFFFFFF  }
0x39: {  	_ =	task.clear_ibuf [dreg:s7], $0x2FFFF;
	_ =	strace $0x9FFFFFFF  }
0x3a: {  	(tm) =	ssettm $0x7FFFFFFF  }
0x3b: {  	_ =	shalt  }
tec
execute0_lowered:
.L_overlay_start_1:
0x0: {  	(tag) =	ssettag $0x1  }
0x1: {  	s0 =	srdreg.scid  }
0x2: {  	s1 =	sshll.u32 s0, $0x4  }
0x3: {  	s5 =	rddreg [dreg:$0x0];
	s0 =	stileid.u32;
	s1 =	sand.u32 $0x10, s1  }
0x4: {  	s3 =	rddreg [dreg:$0x1];
	s31 =	simm.s32 $0x2;
	s4 =	sor.u32 s0, s1  }
0x5: {  	s13 =	simm.s32 $0x0;
	s9 =	simm.s32 $0x400;
	s2 =	sshll.u32 s4, $0x7  }
0x6: {  	s10 =	simm.s32 $0x8000;
	s14 =	simm.s32 $0x0;
	s6 =	ssub.s32 $0x1000, s2  }
0x7: {  	s1 =	rddreg [dreg:$0x2];
	_ =	strace $0x8000004A;
	s7 =	sand.u32 $0xF80, s6  }
0x8: {  	s4 =	sshll.u32 s4, $0xB;
	p0 =	sne.s32 s7, $0x0;
	s7 =	simm.s32 $0x1  }
.Ltmp0:
0x9: {  	s6 =	sshrl.u32 s6, $0xC;
	s7 =	simm.s32 @!p0 $0x0;
	(pc) =	sbr.rel .LBB1_1-.Ltmp0, $4  }
0xa: {  	s8 =	sadd.s32 s4, s5;
	s4 =	simm.s32 $0x1;
	s30 =	sadd.s32 s7, s6  }
0xb: {  	s11 =	simm.s32 $0x0;
	[sflag:s4] =	ssyncpa.u1 $0x0;
	s5 =	smul.u32 $0x64, s30  }
0xc: {  	s12 =	simm.s32 $0x0;
	[sflag:s31] =	ssyncpa.u1 $0x0;
	p0 =	por $0x0, $0x0  }
0xd: {  	s6 =	sadd.s32 $0xC80600, s8;
	s7 =	sadd.s32 $0xC90600, s8;
	s8 =	sor.u32 $0x1, s5  }
.LBB1_7:
0xe: {  	s15 =	sadd.s32 $0x2, s11  }
0xf: {  	p2 =	sgt.s32 s15, $0xC7  }
0x10: {  	s15 =	simm.s32 @p2 $0x0;
	p2 =	sne.s32 s12, s8  }
.Ltmp1:
0x11: {  	p1 =	slt.u32 s12, $0x2;
	(pc) =	sbr.rel @!p2 .LBB1_8-.Ltmp1, $4  }
0x12: {  	s13 =	simm.s32 @!p1 $0x2  }
0x13: {  	s16 =	sadd.s32 $0x1, s12;
	s14 =	smov.u32 s11;
	_ =	swait.ge @!p1 [sflag:s13], $0x4000  }
0x14: {  	p0 =	por !p0, !p0;
	s12 =	smov.u32 s16;
	[sflag:s13] =	ssyncset.done @!p1 $0x0  }
0x15: {  	s11 =	smov.u32 s15;
	[sflag:s13] =	ssyncadd.s32 @!p1 $0xFFFFC000;
	s13 =	smov.u32 s2  }
.LBB1_1:
0x16: {  	p1 =	sge.u32 s12, s5  }
0x17: {  	s15 =	sxor.u32 @!p1 $0xFFFFFFFF, s12  }
0x18: {  	s16 =	sshll.u32 @!p1 s11, $0x10;
	s18 =	simm.s32 @!p1 $0x40;
	s15 =	sshll.u32 @!p1 s15, $0xE  }
0x19: {  	s19 =	simm.s32 @!p1 $0x80;
	s17 =	sadd.s32 @!p1 s16, s6;
	s15 =	sand.u32 @!p1 $0x4000, s15  }
0x1a: {  	[tilespmem:s15], [sflag:$0x1] =	stream.strided.gather @!p1 [hbm4b:s17+s18], $0x2000, s19, s18, $0x38;
	[tilespmem:$0x10100] =	vst v63  }
0x1b: {  	s31 =	sadd.s32 $0xFFFFFFFF, s12;
	s16 =	sadd.s32 @!p1 s16, s7;
	s15 =	sor.u32 @!p1 $0x2000, s15  }
0x1c: {  	[tilespmem:s15], [sflag:$0x1] =	stream.strided.gather @!p1 [hbm4b:s16+s18], $0x2000, s19, s18, $0x38;
	[tilespmem:$0x10100] =	vst v63  }
0x1d: {  	p1 =	sge.u32 s31, s5  }
.Ltmp2:
0x1e: {  	_ = 	snop;
	(pc) =	sbr.rel @p1 .LBB1_7-.Ltmp2, $1  }
0x1f: {  	_ =	sdelay $0x3  }
0x20: {  	s15 =	simm.s32 $0x1;
	s17 =	sand.u32 $0x1, s12  }
0x21: {  	_ =	swait.ge [sflag:s4], $0x4000;
	s15 =	simm.s32 @!p0 $0x0;
	s17 =	smul.u32 $0x10200, s17  }
0x22: {  	p2 =	por $0x1, $0x1;
	[sflag:s4] =	ssyncset.done $0x0;
	s16 =	smul.u32 $0x10200, s15  }
0x23: {  	s18 =	sshll.u32 s15, $0x10;
	[sflag:s4] =	ssyncadd.s32 $0xFFFFC000;
	s30 =	sshrl.u32 s17, $0x2  }
0x24: {  	s31 =	sshrl.u32 s18, $0x2;
	s18 =	simm.s32 $0x0;
	s16 =	sshrl.u32 s16, $0x2  }
0x25: {  	s15 =	sor.u32 $0x8000, s30;
	s17 =	sadd.s32 $0x20, s31;
	s16 =	sor.u32 $0x8000, s16  }
.LBB1_3:
0x26: {  	s19 =	sshll.u32 s18, $0xD  }
0x27: {  	s19 =	sand.u32 $0x3FFFE000, s19  }
0x28: {  	s21 =	sadd.s32 s19, s17  }
0x29: {  	s31 =	smul.u32 $0x8100, s18;
	v3 =	vld [tilespmem:s21+$0x10]  }
0x2a: {  	v1 =	vld [tilespmem:s21+$0xFFFFFFF0]  }
0x2b: {  	s18 =	sshra.s32 s31, $0x2;
	v0 =	vld [tilespmem:s21+$0x0]  }
0x2c: {  	s18 =	sadd.s32 s18, s16;
	v2 =	vld [tilespmem:s21+$0xFFFFFFE0]  }
0x2d: {  	s19 =	sadd.s32 $0x0, s18  }
0x2e: {  	p1 =	por p2, p2;
	s20 =	simm.s32 $0x4;
	s21 =	sadd.s32 $0x40, s21;
	[tilespmem:s19+$0x1830 ss:$0x81] =	vst.msk $0xffff, v3  }
.LBB1_4:
0x2f: {  	v3 =	vld [tilespmem:s21+$0x10];
	p2 =	sne.s32 s20, $0x1FC;
	[tilespmem:s19+$0x810 ss:$0x81] =	vst.msk $0xffff, v1;
	s22 =	smov.u32 s20;
	s20 =	sadd.s32 $0x4, s20  }
.Ltmp3:
0x30: {  	v1 =	vld [tilespmem:s21+$0xFFFFFFF0];
	[tilespmem:s19+$0x1020 ss:$0x81] =	vst.msk $0xffff, v0;
	(pc) =	sbr.rel @p2 .LBB1_4-.Ltmp3, $4  }
0x31: {  	v0 =	vld [tilespmem:s21+$0x0];
	[tilespmem:s19+$0x0 ss:$0x81] =	vst.msk $0xffff, v2  }
0x32: {  	s19 =	sshra.s32 s22, $0x2;
	v2 =	vld [tilespmem:s21+$0xFFFFFFE0]  }
0x33: {  	s19 =	sadd.s32 s19, s18  }
0x34: {  	s21 =	sadd.s32 $0x40, s21;
	[tilespmem:s19+$0x1830 ss:$0x81] =	vst.msk $0xffff, v3  }
.Ltmp4:
0x35: {  	(pc) =	sbr.rel @p1 .LBB1_3-.Ltmp4, $4  }
0x36: {  	_ = 	snop  }
0x37: {  	[tilespmem:s19+$0x810 ss:$0x81] =	vst.msk $0xffff, v1  }
0x38: {  	[tilespmem:s19+$0x1020 ss:$0x81] =	vst.msk $0xffff, v0  }
0x39: {  	s18 =	simm.s32 $0x1;
	p2 =	por $0x0, $0x0;
	[tilespmem:s19+$0x0 ss:$0x81] =	vst.msk $0xffff, v2  }
.Ltmp5:
0x3a: {  	(pc) =	sbr.rel .LBB1_7-.Ltmp5, $4  }
0x3b: {  	s14 =	sshll.u32 s14, $0xF  }
0x3c: {  	s14 =	sadd.s32 s3, s14  }
0x3d: {  	s13 =	sadd.s32 s13, s14  }
0x3e: {  	[hbm4b:s13+s9] =	stream.strided.scatter [tilespmem:s15], [sflag:$0x2], $0x4000, s10, s9, $0x20;
	[tilespmem:$0x10100] =	vst v63  }
.LBB1_8:
0x3f: {  	_ =	sfence.sel $0x180000  }
0x40: {  	s2 =	simm.s32 $0x1;
	[bflag:$0x0] =	sbarrier.arrive $0xFFFF  }
0x41: {  	s31 =	simm.s32 $0x2;
	[sflag:s2] =	ssyncpa.u1 $0x1  }
0x42: {  	[sflag:s31] =	ssyncpa.u1 $0x1  }
0x43: {  	p0 =	sne.s32 s0, $0x0;
	_ =	strace $0x9000004A  }
0x44: {  	s0 =	sadd.s32 @!p0 $0x100000, s1;
	[bflag:$0x2] =	sbarrier.arrive $0xFFFF  }
0x45: {  	[sflag:s0] =	ssyncadd.tile.s32 @!p0 $0x1;
	_ =	shalt  }
.Lfunc_end1:
_tile_overlayer_lowered:
.L_overlay_start_2:
0x46: {  	(tag) =	ssettag $0x2  }
0x47: {  	s0 =	rddreg [dreg:$0x0];
	s2 =	stileid.u32  }
0x48: {  	s1 =	rddreg [dreg:$0x1];
	p0 =	sne.s32 s2, $0x0  }
0x49: {  	s3 =	rddreg [dreg:$0x2];
	[bflag:$0x3] =	sbarrier.arrive $0xFFFF;
	s2 =	simm.s32 @!p0 $0x1C01  }
0x4a: {  	[timem:s3], [sflag:s2] =	dma.local @!p0 [hbm:s0], s1  }
0x4b: {  	s0 =	simm.s32 @!p0 $0x1  }
0x4c: {  	_ =	swait.ge @!p0 [sflag:s0], s1  }
0x4d: {  	s1 =	ssub.s32 @!p0 $0x0, s1;
	[sflag:s0] =	ssyncset.done @!p0 $0x0  }
0x4e: {  	[sflag:s0] =	ssyncadd.s32 @!p0 s1  }
0x4f: {  	[bflag:$0x3] =	sbarrier.arrive $0xFFFF  }
0x50: {  	_ =	shalt  }

</sc_bundles>
